<compile_context>
chip_gen: v7x
topology: tpu7x:2x2x1
jax: 0.10.2.dev20260603
libtpu: 0.0.44.dev20260713+nightly
codegen_flags: <defaults>
</compile_context>

<pallas_src>
import functools

import jax
import jax.numpy as jnp
from jax import lax
from jax.experimental import pallas as pl
from jax.experimental.pallas import tpu as pltpu
from jax.experimental.pallas import tpu_sc as plsc

_BV = 4096
_CHUNK = 128


def _sc_gather_body(flat_hbm, idx_hbm, out_hbm, idx_v, offs_v, rows_v, sem,
                    *, n_cores, b_per_w, vocab, d):
    wid = lax.axis_index("s") * n_cores + lax.axis_index("c")
    base = wid * b_per_w
    pltpu.sync_copy(idx_hbm.at[pl.ds(base, b_per_w)], idx_v)
    lane = lax.iota(jnp.int32, 16)
    n_groups = b_per_w // 16
    words = b_per_w * d
    n_chunks = words // _CHUNK
    for g in range(n_groups):
        v = idx_v[pl.ds(g * 16, 16)]
        for k in range(d):
            plsc.store_scatter(
                offs_v, [g * 16 * d + lane * d + k], v + k * vocab)
    copies = []
    for c in range(n_chunks):
        copies.append(pltpu.async_copy(
            flat_hbm.at[offs_v.at[pl.ds(c * _CHUNK, _CHUNK)]],
            rows_v.at[c], sem))
    for c in copies:
        c.wait()
    pltpu.sync_copy(rows_v, out_hbm.at[wid])


def _sc_gather(flat_table, idx_flat, vocab, d):
    rows = idx_flat.shape[0]
    info = plsc.get_sparse_core_info()
    n_workers = info.num_cores * info.num_subcores
    b_per_w = rows // n_workers
    words = b_per_w * d
    body = functools.partial(_sc_gather_body, n_cores=info.num_cores,
                             b_per_w=b_per_w, vocab=vocab, d=d)
    mesh = plsc.VectorSubcoreMesh(core_axis_name="c", subcore_axis_name="s")
    out = pl.kernel(
        body,
        mesh=mesh,
        out_type=jax.ShapeDtypeStruct((n_workers, words // _CHUNK, _CHUNK),
                                      jnp.float32),
        scratch_types=[
            pltpu.VMEM((b_per_w,), jnp.int32),
            pltpu.VMEM((words,), jnp.int32),
            pltpu.VMEM((words // _CHUNK, _CHUNK), jnp.float32),
            pltpu.SemaphoreType.DMA,
        ],
        compiler_params=pltpu.CompilerParams(use_tc_tiling_on_sc=False,
                                             needs_layout_passes=False),
    )(flat_table, idx_flat)
    return out.reshape(rows, d)


def _gelu_exact(v):
    return 0.5 * v * (1.0 + lax.erf(v * jnp.float32(0.7071067811865476)))


def _mlp_body(h_ref, W1_ref, b1_ref, W2_ref, b2_ref, W3_ref, b3_ref,
              out_ref, h2t_ref):
    @pl.when(pl.program_id(0) == 0)
    def _():
        a1 = jnp.dot(h_ref[...], W1_ref[...],
                     preferred_element_type=jnp.float32) + b1_ref[...]
        g1 = _gelu_exact(a1)
        a2 = jnp.dot(g1, W2_ref[...],
                     preferred_element_type=jnp.float32) + b2_ref[...]
        h2t_ref[...] = _gelu_exact(a2).T.astype(jnp.bfloat16)
    batch = out_ref.shape[1]
    bias = lax.dot_general(
        b3_ref[...], jnp.ones((1, batch), jnp.float32),
        dimension_numbers=(((0,), (0,)), ((), ())),
        preferred_element_type=jnp.float32)
    out_ref[...] = lax.dot_general(
        W3_ref[...].astype(jnp.bfloat16), h2t_ref[...],
        dimension_numbers=(((0,), (0,)), ((), ())),
        preferred_element_type=jnp.float32) + bias


def kernel(x, emb, W1, b1, W2, b2, W3, b3):
    batch, ctx = x.shape
    vocab, d = emb.shape
    hidden = W1.shape[1]
    rows = batch * ctx

    flat_table = emb.T.reshape(vocab * d)
    gathered = _sc_gather(flat_table, x.reshape(rows), vocab, d)
    h = gathered.reshape(batch, ctx * d)

    grid = pl.cdiv(vocab, _BV)
    out_t = pl.pallas_call(
        _mlp_body,
        grid=(grid,),
        in_specs=[
            pl.BlockSpec((batch, ctx * d), lambda i: (0, 0)),
            pl.BlockSpec((ctx * d, hidden), lambda i: (0, 0)),
            pl.BlockSpec((1, hidden), lambda i: (0, 0)),
            pl.BlockSpec((hidden, hidden), lambda i: (0, 0)),
            pl.BlockSpec((1, hidden), lambda i: (0, 0)),
            pl.BlockSpec((hidden, _BV), lambda i: (0, i)),
            pl.BlockSpec((1, _BV), lambda i: (0, i)),
        ],
        out_specs=pl.BlockSpec((_BV, batch), lambda i: (i, 0)),
        out_shape=jax.ShapeDtypeStruct((vocab, batch), jnp.float32),
        scratch_shapes=[pltpu.VMEM((hidden, batch), jnp.bfloat16)],
        compiler_params=pltpu.CompilerParams(
            dimension_semantics=("arbitrary",),
            vmem_limit_bytes=60 * 1024 * 1024),
    )(h, W1, b1.reshape(1, hidden), W2, b2.reshape(1, hidden), W3,
      b3.reshape(1, vocab))
    return out_t.T

# --- scband reference (transcript-rebuilt; emitter-appended) ---
"""Pipeline reference for scband-ngram-model-38826504356682 (READ-ONLY COPY).

The authoritative reference and input builder live on the scoring server;
editing this copy changes nothing except your own understanding.
"""

import jax, jax.numpy as jnp
import numpy as np

VOCAB = 100000
EMBED_DIM = 16
HIDDEN_DIM = 64
N = 3
BATCH = 1024


def setup_inputs(seed: int = 0) -> dict:
    key = jax.random.key(seed)
    ks = jax.random.split(key, 8)
    x = jax.random.randint(ks[0], (BATCH, N - 1), 0, VOCAB, dtype=jnp.int64 if jax.config.jax_enable_x64 else jnp.int32).astype(jnp.int32)
    emb = jax.random.normal(ks[1], (VOCAB, EMBED_DIM), dtype=jnp.float32)
    W1 = jax.random.normal(ks[2], (EMBED_DIM * (N - 1), HIDDEN_DIM), dtype=jnp.float32) * 0.05
    b1 = jnp.zeros((HIDDEN_DIM,), dtype=jnp.float32)
    W2 = jax.random.normal(ks[3], (HIDDEN_DIM, HIDDEN_DIM), dtype=jnp.float32) * 0.05
    b2 = jnp.zeros((HIDDEN_DIM,), dtype=jnp.float32)
    W3 = jax.random.normal(ks[4], (HIDDEN_DIM, VOCAB), dtype=jnp.float32) * 0.05
    b3 = jnp.zeros((VOCAB,), dtype=jnp.float32)
    return {"x": x, "emb": emb, "W1": W1, "b1": b1, "W2": W2, "b2": b2, "W3": W3, "b3": b3}


def reference(x, emb, W1, b1, W2, b2, W3, b3):
    # embedding lookup then flatten context window
    h = jnp.take(emb, x, axis=0)                      # [B, N-1, D]
    h = h.reshape(x.shape[0], -1)                     # [B, (N-1)*D]
    h = jax.nn.gelu(h @ W1 + b1, approximate=False)   # torch nn.GELU default = exact erf
    h = jax.nn.gelu(h @ W2 + b2, approximate=False)
    out = h @ W3 + b3                                 # [B, vocab]
    return out

if __name__ == "__main__":
    import jax
    _d = setup_inputs()
    print(jax.jit(kernel)(*tuple(_d.values())))

</pallas_src>

<mosaic_0001>
#map = affine_map<(d0, d1) -> (0)>
#map1 = affine_map<(d0, d1) -> (0, 0, 0)>
module attributes {stable_mosaic.version = 14 : i64} {
  func.func @_sc_gather_body(%arg0: i32, %arg1: i32, %arg2: memref<1600000xf32, #tpu.memory_space<hbm>>, %arg3: memref<2048xi32, #tpu.memory_space<hbm>>, %arg4: memref<32x8x128xf32, #tpu.memory_space<hbm>>, %arg5: memref<64xi32, #tpu.memory_space<vmem>>, %arg6: memref<1024xi32, #tpu.memory_space<vmem>>, %arg7: memref<8x128xf32, #tpu.memory_space<vmem>>, %arg8: memref<!tpu.dma_semaphore, #tpu.memory_space<semaphore_mem>>) attributes {dimension_semantics = [#tpu.dimension_semantics<core_parallel>, #tpu.dimension_semantics<subcore_parallel>], iteration_bounds = array<i64: 2, 16>, scalar_prefetch = 0 : i64, scratch_operands = 4 : i64, tpu.core_type = #tpu.core_type<sc_vector_subcore>, window_params = [{transform_indices = #map}, {transform_indices = #map}, {transform_indices = #map1}]} {
    %mul3A = arith.constant 2 : i32
    %mul3A_0 = arith.muli %arg1, %mul3A : i32
    %add3A = arith.addi %mul3A_0, %arg0 : i32
    %mul3A_1 = arith.constant 64 : i32
    %mul3A_2 = arith.muli %add3A, %mul3A_1 : i32
    "tpu.region"() ({
      %run_scoped3A = tpu.sem_alloc : memref<!tpu.dma_semaphore, #tpu.memory_space<semaphore_mem>>
      %dma_start3A_904 = tpu.memref_slice %arg3[%mul3A_2] : memref<2048xi32, #tpu.memory_space<hbm>> -> memref<64xi32, #tpu.memory_space<hbm>>
      %dma_start3A_905 = tpu.memref_slice %arg3[%mul3A_2] : memref<2048xi32, #tpu.memory_space<hbm>> -> memref<64xi32, #tpu.memory_space<hbm>>
      tpu.enqueue_dma source(%dma_start3A_905 : memref<64xi32, #tpu.memory_space<hbm>>) target(%arg5 : memref<64xi32, #tpu.memory_space<vmem>>) target_semaphore(%run_scoped3A : memref<!tpu.dma_semaphore, #tpu.memory_space<semaphore_mem>>)
      %dma_wait3A_906 = tpu.memref_slice %arg3[%mul3A_2] : memref<2048xi32, #tpu.memory_space<hbm>> -> memref<64xi32, #tpu.memory_space<hbm>>
      %dma_wait3A_907 = tpu.memref_slice %arg3[%mul3A_2] : memref<2048xi32, #tpu.memory_space<hbm>> -> memref<64xi32, #tpu.memory_space<hbm>>
      tpu.wait_dma2 semaphore(%run_scoped3A : memref<!tpu.dma_semaphore, #tpu.memory_space<semaphore_mem>>) src(%dma_wait3A_907 : memref<64xi32, #tpu.memory_space<hbm>>) dst(%arg5 : memref<64xi32, #tpu.memory_space<vmem>>)
      tpu.yield
    }) : () -> ()
    %iota3A = tpu.iota {dimensions = array<i32: 0>} : vector<16xi32>
    %get3A = arith.constant 0 : index
    %get3A_3 = tpu.vector_load %arg5[%get3A] {strides = array<i32>} : memref<64xi32, #tpu.memory_space<vmem>>, vector<16xi32>,
    %mul3A_4 = arith.constant 16 : i32
    %mul3A_5 = vector.broadcast %mul3A_4 : i32 to vector<16xi32>
    %mul3A_6 = arith.muli %iota3A, %mul3A_5 : vector<16xi32>
    %add3A_7 = arith.constant 0 : i32
    %add3A_8 = vector.broadcast %add3A_7 : i32 to vector<16xi32>
    %add3A_9 = arith.addi %add3A_8, %mul3A_6 : vector<16xi32>
    %add3A_10 = arith.constant 0 : i32
    %add3A_11 = vector.broadcast %add3A_10 : i32 to vector<16xi32>
    %add3A_12 = arith.addi %add3A_9, %add3A_11 : vector<16xi32>
    %add3A_13 = arith.constant 0 : i32
    %add3A_14 = vector.broadcast %add3A_13 : i32 to vector<16xi32>
    %add3A_15 = arith.addi %get3A_3, %add3A_14 : vector<16xi32>
    tpu.vector_store_idx %arg6[%add3A_12], %add3A_15 : memref<1024xi32, #tpu.memory_space<vmem>>[vector<16xi32>], vector<16xi32>,
    %mul3A_16 = arith.constant 16 : i32
    %mul3A_17 = vector.broadcast %mul3A_16 : i32 to vector<16xi32>
    %mul3A_18 = arith.muli %iota3A, %mul3A_17 : vector<16xi32>
    %add3A_19 = arith.constant 0 : i32
    %add3A_20 = vector.broadcast %add3A_19 : i32 to vector<16xi32>
    %add3A_21 = arith.addi %add3A_20, %mul3A_18 : vector<16xi32>
    %add3A_22 = arith.constant 1 : i32
    %add3A_23 = vector.broadcast %add3A_22 : i32 to vector<16xi32>
    %add3A_24 = arith.addi %add3A_21, %add3A_23 : vector<16xi32>
    %add3A_25 = arith.constant 100000 : i32
    %add3A_26 = vector.broadcast %add3A_25 : i32 to vector<16xi32>
    %add3A_27 = arith.addi %get3A_3, %add3A_26 : vector<16xi32>
    tpu.vector_store_idx %arg6[%add3A_24], %add3A_27 : memref<1024xi32, #tpu.memory_space<vmem>>[vector<16xi32>], vector<16xi32>,
    %mul3A_28 = arith.constant 16 : i32
    %mul3A_29 = vector.broadcast %mul3A_28 : i32 to vector<16xi32>
    %mul3A_30 = arith.muli %iota3A, %mul3A_29 : vector<16xi32>
    %add3A_31 = arith.constant 0 : i32
    %add3A_32 = vector.broadcast %add3A_31 : i32 to vector<16xi32>
    %add3A_33 = arith.addi %add3A_32, %mul3A_30 : vector<16xi32>
    %add3A_34 = arith.constant 2 : i32
    %add3A_35 = vector.broadcast %add3A_34 : i32 to vector<16xi32>
    %add3A_36 = arith.addi %add3A_33, %add3A_35 : vector<16xi32>
    %add3A_37 = arith.constant 200000 : i32
    %add3A_38 = vector.broadcast %add3A_37 : i32 to vector<16xi32>
    %add3A_39 = arith.addi %get3A_3, %add3A_38 : vector<16xi32>
    tpu.vector_store_idx %arg6[%add3A_36], %add3A_39 : memref<1024xi32, #tpu.memory_space<vmem>>[vector<16xi32>], vector<16xi32>,
    %mul3A_40 = arith.constant 16 : i32
    %mul3A_41 = vector.broadcast %mul3A_40 : i32 to vector<16xi32>
    %mul3A_42 = arith.muli %iota3A, %mul3A_41 : vector<16xi32>
    %add3A_43 = arith.constant 0 : i32
    %add3A_44 = vector.broadcast %add3A_43 : i32 to vector<16xi32>
    %add3A_45 = arith.addi %add3A_44, %mul3A_42 : vector<16xi32>
    %add3A_46 = arith.constant 3 : i32
    %add3A_47 = vector.broadcast %add3A_46 : i32 to vector<16xi32>
    %add3A_48 = arith.addi %add3A_45, %add3A_47 : vector<16xi32>
    %add3A_49 = arith.constant 300000 : i32
    %add3A_50 = vector.broadcast %add3A_49 : i32 to vector<16xi32>
    %add3A_51 = arith.addi %get3A_3, %add3A_50 : vector<16xi32>
    tpu.vector_store_idx %arg6[%add3A_48], %add3A_51 : memref<1024xi32, #tpu.memory_space<vmem>>[vector<16xi32>], vector<16xi32>,
    %mul3A_52 = arith.constant 16 : i32
    %mul3A_53 = vector.broadcast %mul3A_52 : i32 to vector<16xi32>
    %mul3A_54 = arith.muli %iota3A, %mul3A_53 : vector<16xi32>
    %add3A_55 = arith.constant 0 : i32
    %add3A_56 = vector.broadcast %add3A_55 : i32 to vector<16xi32>
    %add3A_57 = arith.addi %add3A_56, %mul3A_54 : vector<16xi32>
    %add3A_58 = arith.constant 4 : i32
    %add3A_59 = vector.broadcast %add3A_58 : i32 to vector<16xi32>
    %add3A_60 = arith.addi %add3A_57, %add3A_59 : vector<16xi32>
    %add3A_61 = arith.constant 400000 : i32
    %add3A_62 = vector.broadcast %add3A_61 : i32 to vector<16xi32>
    %add3A_63 = arith.addi %get3A_3, %add3A_62 : vector<16xi32>
    tpu.vector_store_idx %arg6[%add3A_60], %add3A_63 : memref<1024xi32, #tpu.memory_space<vmem>>[vector<16xi32>], vector<16xi32>,
    %mul3A_64 = arith.constant 16 : i32
    %mul3A_65 = vector.broadcast %mul3A_64 : i32 to vector<16xi32>
    %mul3A_66 = arith.muli %iota3A, %mul3A_65 : vector<16xi32>
    %add3A_67 = arith.constant 0 : i32
    %add3A_68 = vector.broadcast %add3A_67 : i32 to vector<16xi32>
    %add3A_69 = arith.addi %add3A_68, %mul3A_66 : vector<16xi32>
    %add3A_70 = arith.constant 5 : i32
    %add3A_71 = vector.broadcast %add3A_70 : i32 to vector<16xi32>
    %add3A_72 = arith.addi %add3A_69, %add3A_71 : vector<16xi32>
    %add3A_73 = arith.constant 500000 : i32
    %add3A_74 = vector.broadcast %add3A_73 : i32 to vector<16xi32>
    %add3A_75 = arith.addi %get3A_3, %add3A_74 : vector<16xi32>
    tpu.vector_store_idx %arg6[%add3A_72], %add3A_75 : memref<1024xi32, #tpu.memory_space<vmem>>[vector<16xi32>], vector<16xi32>,
    %mul3A_76 = arith.constant 16 : i32
    %mul3A_77 = vector.broadcast %mul3A_76 : i32 to vector<16xi32>
    %mul3A_78 = arith.muli %iota3A, %mul3A_77 : vector<16xi32>
    %add3A_79 = arith.constant 0 : i32
    %add3A_80 = vector.broadcast %add3A_79 : i32 to vector<16xi32>
    %add3A_81 = arith.addi %add3A_80, %mul3A_78 : vector<16xi32>
    %add3A_82 = arith.constant 6 : i32
    %add3A_83 = vector.broadcast %add3A_82 : i32 to vector<16xi32>
    %add3A_84 = arith.addi %add3A_81, %add3A_83 : vector<16xi32>
    %add3A_85 = arith.constant 600000 : i32
    %add3A_86 = vector.broadcast %add3A_85 : i32 to vector<16xi32>
    %add3A_87 = arith.addi %get3A_3, %add3A_86 : vector<16xi32>
    tpu.vector_store_idx %arg6[%add3A_84], %add3A_87 : memref<1024xi32, #tpu.memory_space<vmem>>[vector<16xi32>], vector<16xi32>,
    %mul3A_88 = arith.constant 16 : i32
    %mul3A_89 = vector.broadcast %mul3A_88 : i32 to vector<16xi32>
    %mul3A_90 = arith.muli %iota3A, %mul3A_89 : vector<16xi32>
    %add3A_91 = arith.constant 0 : i32
    %add3A_92 = vector.broadcast %add3A_91 : i32 to vector<16xi32>
    %add3A_93 = arith.addi %add3A_92, %mul3A_90 : vector<16xi32>
    %add3A_94 = arith.constant 7 : i32
    %add3A_95 = vector.broadcast %add3A_94 : i32 to vector<16xi32>
    %add3A_96 = arith.addi %add3A_93, %add3A_95 : vector<16xi32>
    %add3A_97 = arith.constant 700000 : i32
    %add3A_98 = vector.broadcast %add3A_97 : i32 to vector<16xi32>
    %add3A_99 = arith.addi %get3A_3, %add3A_98 : vector<16xi32>
    tpu.vector_store_idx %arg6[%add3A_96], %add3A_99 : memref<1024xi32, #tpu.memory_space<vmem>>[vector<16xi32>], vector<16xi32>,
    %mul3A_100 = arith.constant 16 : i32
    %mul3A_101 = vector.broadcast %mul3A_100 : i32 to vector<16xi32>
    %mul3A_102 = arith.muli %iota3A, %mul3A_101 : vector<16xi32>
    %add3A_103 = arith.constant 0 : i32
    %add3A_104 = vector.broadcast %add3A_103 : i32 to vector<16xi32>
    %add3A_105 = arith.addi %add3A_104, %mul3A_102 : vector<16xi32>
    %add3A_106 = arith.constant 8 : i32
    %add3A_107 = vector.broadcast %add3A_106 : i32 to vector<16xi32>
    %add3A_108 = arith.addi %add3A_105, %add3A_107 : vector<16xi32>
    %add3A_109 = arith.constant 800000 : i32
    %add3A_110 = vector.broadcast %add3A_109 : i32 to vector<16xi32>
    %add3A_111 = arith.addi %get3A_3, %add3A_110 : vector<16xi32>
    tpu.vector_store_idx %arg6[%add3A_108], %add3A_111 : memref<1024xi32, #tpu.memory_space<vmem>>[vector<16xi32>], vector<16xi32>,
    %mul3A_112 = arith.constant 16 : i32
    %mul3A_113 = vector.broadcast %mul3A_112 : i32 to vector<16xi32>
    %mul3A_114 = arith.muli %iota3A, %mul3A_113 : vector<16xi32>
    %add3A_115 = arith.constant 0 : i32
    %add3A_116 = vector.broadcast %add3A_115 : i32 to vector<16xi32>
    %add3A_117 = arith.addi %add3A_116, %mul3A_114 : vector<16xi32>
    %add3A_118 = arith.constant 9 : i32
    %add3A_119 = vector.broadcast %add3A_118 : i32 to vector<16xi32>
    %add3A_120 = arith.addi %add3A_117, %add3A_119 : vector<16xi32>
    %add3A_121 = arith.constant 900000 : i32
    %add3A_122 = vector.broadcast %add3A_121 : i32 to vector<16xi32>
    %add3A_123 = arith.addi %get3A_3, %add3A_122 : vector<16xi32>
    tpu.vector_store_idx %arg6[%add3A_120], %add3A_123 : memref<1024xi32, #tpu.memory_space<vmem>>[vector<16xi32>], vector<16xi32>,
    %mul3A_124 = arith.constant 16 : i32
    %mul3A_125 = vector.broadcast %mul3A_124 : i32 to vector<16xi32>
    %mul3A_126 = arith.muli %iota3A, %mul3A_125 : vector<16xi32>
    %add3A_127 = arith.constant 0 : i32
    %add3A_128 = vector.broadcast %add3A_127 : i32 to vector<16xi32>
    %add3A_129 = arith.addi %add3A_128, %mul3A_126 : vector<16xi32>
    %add3A_130 = arith.constant 10 : i32
    %add3A_131 = vector.broadcast %add3A_130 : i32 to vector<16xi32>
    %add3A_132 = arith.addi %add3A_129, %add3A_131 : vector<16xi32>
    %add3A_133 = arith.constant 1000000 : i32
    %add3A_134 = vector.broadcast %add3A_133 : i32 to vector<16xi32>
    %add3A_135 = arith.addi %get3A_3, %add3A_134 : vector<16xi32>
    tpu.vector_store_idx %arg6[%add3A_132], %add3A_135 : memref<1024xi32, #tpu.memory_space<vmem>>[vector<16xi32>], vector<16xi32>,
    %mul3A_136 = arith.constant 16 : i32
    %mul3A_137 = vector.broadcast %mul3A_136 : i32 to vector<16xi32>
    %mul3A_138 = arith.muli %iota3A, %mul3A_137 : vector<16xi32>
    %add3A_139 = arith.constant 0 : i32
    %add3A_140 = vector.broadcast %add3A_139 : i32 to vector<16xi32>
    %add3A_141 = arith.addi %add3A_140, %mul3A_138 : vector<16xi32>
    %add3A_142 = arith.constant 11 : i32
    %add3A_143 = vector.broadcast %add3A_142 : i32 to vector<16xi32>
    %add3A_144 = arith.addi %add3A_141, %add3A_143 : vector<16xi32>
    %add3A_145 = arith.constant 1100000 : i32
    %add3A_146 = vector.broadcast %add3A_145 : i32 to vector<16xi32>
    %add3A_147 = arith.addi %get3A_3, %add3A_146 : vector<16xi32>
    tpu.vector_store_idx %arg6[%add3A_144], %add3A_147 : memref<1024xi32, #tpu.memory_space<vmem>>[vector<16xi32>], vector<16xi32>,
    %mul3A_148 = arith.constant 16 : i32
    %mul3A_149 = vector.broadcast %mul3A_148 : i32 to vector<16xi32>
    %mul3A_150 = arith.muli %iota3A, %mul3A_149 : vector<16xi32>
    %add3A_151 = arith.constant 0 : i32
    %add3A_152 = vector.broadcast %add3A_151 : i32 to vector<16xi32>
    %add3A_153 = arith.addi %add3A_152, %mul3A_150 : vector<16xi32>
    %add3A_154 = arith.constant 12 : i32
    %add3A_155 = vector.broadcast %add3A_154 : i32 to vector<16xi32>
    %add3A_156 = arith.addi %add3A_153, %add3A_155 : vector<16xi32>
    %add3A_157 = arith.constant 1200000 : i32
    %add3A_158 = vector.broadcast %add3A_157 : i32 to vector<16xi32>
    %add3A_159 = arith.addi %get3A_3, %add3A_158 : vector<16xi32>
    tpu.vector_store_idx %arg6[%add3A_156], %add3A_159 : memref<1024xi32, #tpu.memory_space<vmem>>[vector<16xi32>], vector<16xi32>,
    %mul3A_160 = arith.constant 16 : i32
    %mul3A_161 = vector.broadcast %mul3A_160 : i32 to vector<16xi32>
    %mul3A_162 = arith.muli %iota3A, %mul3A_161 : vector<16xi32>
    %add3A_163 = arith.constant 0 : i32
    %add3A_164 = vector.broadcast %add3A_163 : i32 to vector<16xi32>
    %add3A_165 = arith.addi %add3A_164, %mul3A_162 : vector<16xi32>
    %add3A_166 = arith.constant 13 : i32
    %add3A_167 = vector.broadcast %add3A_166 : i32 to vector<16xi32>
    %add3A_168 = arith.addi %add3A_165, %add3A_167 : vector<16xi32>
    %add3A_169 = arith.constant 1300000 : i32
    %add3A_170 = vector.broadcast %add3A_169 : i32 to vector<16xi32>
    %add3A_171 = arith.addi %get3A_3, %add3A_170 : vector<16xi32>
    tpu.vector_store_idx %arg6[%add3A_168], %add3A_171 : memref<1024xi32, #tpu.memory_space<vmem>>[vector<16xi32>], vector<16xi32>,
    %mul3A_172 = arith.constant 16 : i32
    %mul3A_173 = vector.broadcast %mul3A_172 : i32 to vector<16xi32>
    %mul3A_174 = arith.muli %iota3A, %mul3A_173 : vector<16xi32>
    %add3A_175 = arith.constant 0 : i32
    %add3A_176 = vector.broadcast %add3A_175 : i32 to vector<16xi32>
    %add3A_177 = arith.addi %add3A_176, %mul3A_174 : vector<16xi32>
    %add3A_178 = arith.constant 14 : i32
    %add3A_179 = vector.broadcast %add3A_178 : i32 to vector<16xi32>
    %add3A_180 = arith.addi %add3A_177, %add3A_179 : vector<16xi32>
    %add3A_181 = arith.constant 1400000 : i32
    %add3A_182 = vector.broadcast %add3A_181 : i32 to vector<16xi32>
    %add3A_183 = arith.addi %get3A_3, %add3A_182 : vector<16xi32>
    tpu.vector_store_idx %arg6[%add3A_180], %add3A_183 : memref<1024xi32, #tpu.memory_space<vmem>>[vector<16xi32>], vector<16xi32>,
    %mul3A_184 = arith.constant 16 : i32
    %mul3A_185 = vector.broadcast %mul3A_184 : i32 to vector<16xi32>
    %mul3A_186 = arith.muli %iota3A, %mul3A_185 : vector<16xi32>
    %add3A_187 = arith.constant 0 : i32
    %add3A_188 = vector.broadcast %add3A_187 : i32 to vector<16xi32>
    %add3A_189 = arith.addi %add3A_188, %mul3A_186 : vector<16xi32>
    %add3A_190 = arith.constant 15 : i32
    %add3A_191 = vector.broadcast %add3A_190 : i32 to vector<16xi32>
    %add3A_192 = arith.addi %add3A_189, %add3A_191 : vector<16xi32>
    %add3A_193 = arith.constant 1500000 : i32
    %add3A_194 = vector.broadcast %add3A_193 : i32 to vector<16xi32>
    %add3A_195 = arith.addi %get3A_3, %add3A_194 : vector<16xi32>
    tpu.vector_store_idx %arg6[%add3A_192], %add3A_195 : memref<1024xi32, #tpu.memory_space<vmem>>[vector<16xi32>], vector<16xi32>,
    %get3A_196 = arith.constant 16 : index
    %get3A_197 = tpu.vector_load %arg5[%get3A_196] {strides = array<i32>} : memref<64xi32, #tpu.memory_space<vmem>>, vector<16xi32>,
    %mul3A_198 = arith.constant 16 : i32
    %mul3A_199 = vector.broadcast %mul3A_198 : i32 to vector<16xi32>
    %mul3A_200 = arith.muli %iota3A, %mul3A_199 : vector<16xi32>
    %add3A_201 = arith.constant 256 : i32
    %add3A_202 = vector.broadcast %add3A_201 : i32 to vector<16xi32>
    %add3A_203 = arith.addi %add3A_202, %mul3A_200 : vector<16xi32>
    %add3A_204 = arith.constant 0 : i32
    %add3A_205 = vector.broadcast %add3A_204 : i32 to vector<16xi32>
    %add3A_206 = arith.addi %add3A_203, %add3A_205 : vector<16xi32>
    %add3A_207 = arith.constant 0 : i32
    %add3A_208 = vector.broadcast %add3A_207 : i32 to vector<16xi32>
    %add3A_209 = arith.addi %get3A_197, %add3A_208 : vector<16xi32>
    tpu.vector_store_idx %arg6[%add3A_206], %add3A_209 : memref<1024xi32, #tpu.memory_space<vmem>>[vector<16xi32>], vector<16xi32>,
    %mul3A_210 = arith.constant 16 : i32
    %mul3A_211 = vector.broadcast %mul3A_210 : i32 to vector<16xi32>
    %mul3A_212 = arith.muli %iota3A, %mul3A_211 : vector<16xi32>
    %add3A_213 = arith.constant 256 : i32
    %add3A_214 = vector.broadcast %add3A_213 : i32 to vector<16xi32>
    %add3A_215 = arith.addi %add3A_214, %mul3A_212 : vector<16xi32>
    %add3A_216 = arith.constant 1 : i32
    %add3A_217 = vector.broadcast %add3A_216 : i32 to vector<16xi32>
    %add3A_218 = arith.addi %add3A_215, %add3A_217 : vector<16xi32>
    %add3A_219 = arith.constant 100000 : i32
    %add3A_220 = vector.broadcast %add3A_219 : i32 to vector<16xi32>
    %add3A_221 = arith.addi %get3A_197, %add3A_220 : vector<16xi32>
    tpu.vector_store_idx %arg6[%add3A_218], %add3A_221 : memref<1024xi32, #tpu.memory_space<vmem>>[vector<16xi32>], vector<16xi32>,
    %mul3A_222 = arith.constant 16 : i32
    %mul3A_223 = vector.broadcast %mul3A_222 : i32 to vector<16xi32>
    %mul3A_224 = arith.muli %iota3A, %mul3A_223 : vector<16xi32>
    %add3A_225 = arith.constant 256 : i32
    %add3A_226 = vector.broadcast %add3A_225 : i32 to vector<16xi32>
    %add3A_227 = arith.addi %add3A_226, %mul3A_224 : vector<16xi32>
    %add3A_228 = arith.constant 2 : i32
    %add3A_229 = vector.broadcast %add3A_228 : i32 to vector<16xi32>
    %add3A_230 = arith.addi %add3A_227, %add3A_229 : vector<16xi32>
    %add3A_231 = arith.constant 200000 : i32
    %add3A_232 = vector.broadcast %add3A_231 : i32 to vector<16xi32>
    %add3A_233 = arith.addi %get3A_197, %add3A_232 : vector<16xi32>
    tpu.vector_store_idx %arg6[%add3A_230], %add3A_233 : memref<1024xi32, #tpu.memory_space<vmem>>[vector<16xi32>], vector<16xi32>,
    %mul3A_234 = arith.constant 16 : i32
    %mul3A_235 = vector.broadcast %mul3A_234 : i32 to vector<16xi32>
    %mul3A_236 = arith.muli %iota3A, %mul3A_235 : vector<16xi32>
    %add3A_237 = arith.constant 256 : i32
    %add3A_238 = vector.broadcast %add3A_237 : i32 to vector<16xi32>
    %add3A_239 = arith.addi %add3A_238, %mul3A_236 : vector<16xi32>
    %add3A_240 = arith.constant 3 : i32
    %add3A_241 = vector.broadcast %add3A_240 : i32 to vector<16xi32>
    %add3A_242 = arith.addi %add3A_239, %add3A_241 : vector<16xi32>
    %add3A_243 = arith.constant 300000 : i32
    %add3A_244 = vector.broadcast %add3A_243 : i32 to vector<16xi32>
    %add3A_245 = arith.addi %get3A_197, %add3A_244 : vector<16xi32>
    tpu.vector_store_idx %arg6[%add3A_242], %add3A_245 : memref<1024xi32, #tpu.memory_space<vmem>>[vector<16xi32>], vector<16xi32>,
    %mul3A_246 = arith.constant 16 : i32
    %mul3A_247 = vector.broadcast %mul3A_246 : i32 to vector<16xi32>
    %mul3A_248 = arith.muli %iota3A, %mul3A_247 : vector<16xi32>
    %add3A_249 = arith.constant 256 : i32
    %add3A_250 = vector.broadcast %add3A_249 : i32 to vector<16xi32>
    %add3A_251 = arith.addi %add3A_250, %mul3A_248 : vector<16xi32>
    %add3A_252 = arith.constant 4 : i32
    %add3A_253 = vector.broadcast %add3A_252 : i32 to vector<16xi32>
    %add3A_254 = arith.addi %add3A_251, %add3A_253 : vector<16xi32>
    %add3A_255 = arith.constant 400000 : i32
    %add3A_256 = vector.broadcast %add3A_255 : i32 to vector<16xi32>
    %add3A_257 = arith.addi %get3A_197, %add3A_256 : vector<16xi32>
    tpu.vector_store_idx %arg6[%add3A_254], %add3A_257 : memref<1024xi32, #tpu.memory_space<vmem>>[vector<16xi32>], vector<16xi32>,
    %mul3A_258 = arith.constant 16 : i32
    %mul3A_259 = vector.broadcast %mul3A_258 : i32 to vector<16xi32>
    %mul3A_260 = arith.muli %iota3A, %mul3A_259 : vector<16xi32>
    %add3A_261 = arith.constant 256 : i32
    %add3A_262 = vector.broadcast %add3A_261 : i32 to vector<16xi32>
    %add3A_263 = arith.addi %add3A_262, %mul3A_260 : vector<16xi32>
    %add3A_264 = arith.constant 5 : i32
    %add3A_265 = vector.broadcast %add3A_264 : i32 to vector<16xi32>
    %add3A_266 = arith.addi %add3A_263, %add3A_265 : vector<16xi32>
    %add3A_267 = arith.constant 500000 : i32
    %add3A_268 = vector.broadcast %add3A_267 : i32 to vector<16xi32>
    %add3A_269 = arith.addi %get3A_197, %add3A_268 : vector<16xi32>
    tpu.vector_store_idx %arg6[%add3A_266], %add3A_269 : memref<1024xi32, #tpu.memory_space<vmem>>[vector<16xi32>], vector<16xi32>,
    %mul3A_270 = arith.constant 16 : i32
    %mul3A_271 = vector.broadcast %mul3A_270 : i32 to vector<16xi32>
    %mul3A_272 = arith.muli %iota3A, %mul3A_271 : vector<16xi32>
    %add3A_273 = arith.constant 256 : i32
    %add3A_274 = vector.broadcast %add3A_273 : i32 to vector<16xi32>
    %add3A_275 = arith.addi %add3A_274, %mul3A_272 : vector<16xi32>
    %add3A_276 = arith.constant 6 : i32
    %add3A_277 = vector.broadcast %add3A_276 : i32 to vector<16xi32>
    %add3A_278 = arith.addi %add3A_275, %add3A_277 : vector<16xi32>
    %add3A_279 = arith.constant 600000 : i32
    %add3A_280 = vector.broadcast %add3A_279 : i32 to vector<16xi32>
    %add3A_281 = arith.addi %get3A_197, %add3A_280 : vector<16xi32>
    tpu.vector_store_idx %arg6[%add3A_278], %add3A_281 : memref<1024xi32, #tpu.memory_space<vmem>>[vector<16xi32>], vector<16xi32>,
    %mul3A_282 = arith.constant 16 : i32
    %mul3A_283 = vector.broadcast %mul3A_282 : i32 to vector<16xi32>
    %mul3A_284 = arith.muli %iota3A, %mul3A_283 : vector<16xi32>
    %add3A_285 = arith.constant 256 : i32
    %add3A_286 = vector.broadcast %add3A_285 : i32 to vector<16xi32>
    %add3A_287 = arith.addi %add3A_286, %mul3A_284 : vector<16xi32>
    %add3A_288 = arith.constant 7 : i32
    %add3A_289 = vector.broadcast %add3A_288 : i32 to vector<16xi32>
    %add3A_290 = arith.addi %add3A_287, %add3A_289 : vector<16xi32>
    %add3A_291 = arith.constant 700000 : i32
    %add3A_292 = vector.broadcast %add3A_291 : i32 to vector<16xi32>
    %add3A_293 = arith.addi %get3A_197, %add3A_292 : vector<16xi32>
    tpu.vector_store_idx %arg6[%add3A_290], %add3A_293 : memref<1024xi32, #tpu.memory_space<vmem>>[vector<16xi32>], vector<16xi32>,
    %mul3A_294 = arith.constant 16 : i32
    %mul3A_295 = vector.broadcast %mul3A_294 : i32 to vector<16xi32>
    %mul3A_296 = arith.muli %iota3A, %mul3A_295 : vector<16xi32>
    %add3A_297 = arith.constant 256 : i32
    %add3A_298 = vector.broadcast %add3A_297 : i32 to vector<16xi32>
    %add3A_299 = arith.addi %add3A_298, %mul3A_296 : vector<16xi32>
    %add3A_300 = arith.constant 8 : i32
    %add3A_301 = vector.broadcast %add3A_300 : i32 to vector<16xi32>
    %add3A_302 = arith.addi %add3A_299, %add3A_301 : vector<16xi32>
    %add3A_303 = arith.constant 800000 : i32
    %add3A_304 = vector.broadcast %add3A_303 : i32 to vector<16xi32>
    %add3A_305 = arith.addi %get3A_197, %add3A_304 : vector<16xi32>
    tpu.vector_store_idx %arg6[%add3A_302], %add3A_305 : memref<1024xi32, #tpu.memory_space<vmem>>[vector<16xi32>], vector<16xi32>,
    %mul3A_306 = arith.constant 16 : i32
    %mul3A_307 = vector.broadcast %mul3A_306 : i32 to vector<16xi32>
    %mul3A_308 = arith.muli %iota3A, %mul3A_307 : vector<16xi32>
    %add3A_309 = arith.constant 256 : i32
    %add3A_310 = vector.broadcast %add3A_309 : i32 to vector<16xi32>
    %add3A_311 = arith.addi %add3A_310, %mul3A_308 : vector<16xi32>
    %add3A_312 = arith.constant 9 : i32
    %add3A_313 = vector.broadcast %add3A_312 : i32 to vector<16xi32>
    %add3A_314 = arith.addi %add3A_311, %add3A_313 : vector<16xi32>
    %add3A_315 = arith.constant 900000 : i32
    %add3A_316 = vector.broadcast %add3A_315 : i32 to vector<16xi32>
    %add3A_317 = arith.addi %get3A_197, %add3A_316 : vector<16xi32>
    tpu.vector_store_idx %arg6[%add3A_314], %add3A_317 : memref<1024xi32, #tpu.memory_space<vmem>>[vector<16xi32>], vector<16xi32>,
    %mul3A_318 = arith.constant 16 : i32
    %mul3A_319 = vector.broadcast %mul3A_318 : i32 to vector<16xi32>
    %mul3A_320 = arith.muli %iota3A, %mul3A_319 : vector<16xi32>
    %add3A_321 = arith.constant 256 : i32
    %add3A_322 = vector.broadcast %add3A_321 : i32 to vector<16xi32>
    %add3A_323 = arith.addi %add3A_322, %mul3A_320 : vector<16xi32>
    %add3A_324 = arith.constant 10 : i32
    %add3A_325 = vector.broadcast %add3A_324 : i32 to vector<16xi32>
    %add3A_326 = arith.addi %add3A_323, %add3A_325 : vector<16xi32>
    %add3A_327 = arith.constant 1000000 : i32
    %add3A_328 = vector.broadcast %add3A_327 : i32 to vector<16xi32>
    %add3A_329 = arith.addi %get3A_197, %add3A_328 : vector<16xi32>
    tpu.vector_store_idx %arg6[%add3A_326], %add3A_329 : memref<1024xi32, #tpu.memory_space<vmem>>[vector<16xi32>], vector<16xi32>,
    %mul3A_330 = arith.constant 16 : i32
    %mul3A_331 = vector.broadcast %mul3A_330 : i32 to vector<16xi32>
    %mul3A_332 = arith.muli %iota3A, %mul3A_331 : vector<16xi32>
    %add3A_333 = arith.constant 256 : i32
    %add3A_334 = vector.broadcast %add3A_333 : i32 to vector<16xi32>
    %add3A_335 = arith.addi %add3A_334, %mul3A_332 : vector<16xi32>
    %add3A_336 = arith.constant 11 : i32
    %add3A_337 = vector.broadcast %add3A_336 : i32 to vector<16xi32>
    %add3A_338 = arith.addi %add3A_335, %add3A_337 : vector<16xi32>
    %add3A_339 = arith.constant 1100000 : i32
    %add3A_340 = vector.broadcast %add3A_339 : i32 to vector<16xi32>
    %add3A_341 = arith.addi %get3A_197, %add3A_340 : vector<16xi32>
    tpu.vector_store_idx %arg6[%add3A_338], %add3A_341 : memref<1024xi32, #tpu.memory_space<vmem>>[vector<16xi32>], vector<16xi32>,
    %mul3A_342 = arith.constant 16 : i32
    %mul3A_343 = vector.broadcast %mul3A_342 : i32 to vector<16xi32>
    %mul3A_344 = arith.muli %iota3A, %mul3A_343 : vector<16xi32>
    %add3A_345 = arith.constant 256 : i32
    %add3A_346 = vector.broadcast %add3A_345 : i32 to vector<16xi32>
    %add3A_347 = arith.addi %add3A_346, %mul3A_344 : vector<16xi32>
    %add3A_348 = arith.constant 12 : i32
    %add3A_349 = vector.broadcast %add3A_348 : i32 to vector<16xi32>
    %add3A_350 = arith.addi %add3A_347, %add3A_349 : vector<16xi32>
    %add3A_351 = arith.constant 1200000 : i32
    %add3A_352 = vector.broadcast %add3A_351 : i32 to vector<16xi32>
    %add3A_353 = arith.addi %get3A_197, %add3A_352 : vector<16xi32>
    tpu.vector_store_idx %arg6[%add3A_350], %add3A_353 : memref<1024xi32, #tpu.memory_space<vmem>>[vector<16xi32>], vector<16xi32>,
    %mul3A_354 = arith.constant 16 : i32
    %mul3A_355 = vector.broadcast %mul3A_354 : i32 to vector<16xi32>
    %mul3A_356 = arith.muli %iota3A, %mul3A_355 : vector<16xi32>
    %add3A_357 = arith.constant 256 : i32
    %add3A_358 = vector.broadcast %add3A_357 : i32 to vector<16xi32>
    %add3A_359 = arith.addi %add3A_358, %mul3A_356 : vector<16xi32>
    %add3A_360 = arith.constant 13 : i32
    %add3A_361 = vector.broadcast %add3A_360 : i32 to vector<16xi32>
    %add3A_362 = arith.addi %add3A_359, %add3A_361 : vector<16xi32>
    %add3A_363 = arith.constant 1300000 : i32
    %add3A_364 = vector.broadcast %add3A_363 : i32 to vector<16xi32>
    %add3A_365 = arith.addi %get3A_197, %add3A_364 : vector<16xi32>
    tpu.vector_store_idx %arg6[%add3A_362], %add3A_365 : memref<1024xi32, #tpu.memory_space<vmem>>[vector<16xi32>], vector<16xi32>,
    %mul3A_366 = arith.constant 16 : i32
    %mul3A_367 = vector.broadcast %mul3A_366 : i32 to vector<16xi32>
    %mul3A_368 = arith.muli %iota3A, %mul3A_367 : vector<16xi32>
    %add3A_369 = arith.constant 256 : i32
    %add3A_370 = vector.broadcast %add3A_369 : i32 to vector<16xi32>
    %add3A_371 = arith.addi %add3A_370, %mul3A_368 : vector<16xi32>
    %add3A_372 = arith.constant 14 : i32
    %add3A_373 = vector.broadcast %add3A_372 : i32 to vector<16xi32>
    %add3A_374 = arith.addi %add3A_371, %add3A_373 : vector<16xi32>
    %add3A_375 = arith.constant 1400000 : i32
    %add3A_376 = vector.broadcast %add3A_375 : i32 to vector<16xi32>
    %add3A_377 = arith.addi %get3A_197, %add3A_376 : vector<16xi32>
    tpu.vector_store_idx %arg6[%add3A_374], %add3A_377 : memref<1024xi32, #tpu.memory_space<vmem>>[vector<16xi32>], vector<16xi32>,
    %mul3A_378 = arith.constant 16 : i32
    %mul3A_379 = vector.broadcast %mul3A_378 : i32 to vector<16xi32>
    %mul3A_380 = arith.muli %iota3A, %mul3A_379 : vector<16xi32>
    %add3A_381 = arith.constant 256 : i32
    %add3A_382 = vector.broadcast %add3A_381 : i32 to vector<16xi32>
    %add3A_383 = arith.addi %add3A_382, %mul3A_380 : vector<16xi32>
    %add3A_384 = arith.constant 15 : i32
    %add3A_385 = vector.broadcast %add3A_384 : i32 to vector<16xi32>
    %add3A_386 = arith.addi %add3A_383, %add3A_385 : vector<16xi32>
    %add3A_387 = arith.constant 1500000 : i32
    %add3A_388 = vector.broadcast %add3A_387 : i32 to vector<16xi32>
    %add3A_389 = arith.addi %get3A_197, %add3A_388 : vector<16xi32>
    tpu.vector_store_idx %arg6[%add3A_386], %add3A_389 : memref<1024xi32, #tpu.memory_space<vmem>>[vector<16xi32>], vector<16xi32>,
    %get3A_390 = arith.constant 32 : index
    %get3A_391 = tpu.vector_load %arg5[%get3A_390] {strides = array<i32>} : memref<64xi32, #tpu.memory_space<vmem>>, vector<16xi32>,
    %mul3A_392 = arith.constant 16 : i32
    %mul3A_393 = vector.broadcast %mul3A_392 : i32 to vector<16xi32>
    %mul3A_394 = arith.muli %iota3A, %mul3A_393 : vector<16xi32>
    %add3A_395 = arith.constant 512 : i32
    %add3A_396 = vector.broadcast %add3A_395 : i32 to vector<16xi32>
    %add3A_397 = arith.addi %add3A_396, %mul3A_394 : vector<16xi32>
    %add3A_398 = arith.constant 0 : i32
    %add3A_399 = vector.broadcast %add3A_398 : i32 to vector<16xi32>
    %add3A_400 = arith.addi %add3A_397, %add3A_399 : vector<16xi32>
    %add3A_401 = arith.constant 0 : i32
    %add3A_402 = vector.broadcast %add3A_401 : i32 to vector<16xi32>
    %add3A_403 = arith.addi %get3A_391, %add3A_402 : vector<16xi32>
    tpu.vector_store_idx %arg6[%add3A_400], %add3A_403 : memref<1024xi32, #tpu.memory_space<vmem>>[vector<16xi32>], vector<16xi32>,
    %mul3A_404 = arith.constant 16 : i32
    %mul3A_405 = vector.broadcast %mul3A_404 : i32 to vector<16xi32>
    %mul3A_406 = arith.muli %iota3A, %mul3A_405 : vector<16xi32>
    %add3A_407 = arith.constant 512 : i32
    %add3A_408 = vector.broadcast %add3A_407 : i32 to vector<16xi32>
    %add3A_409 = arith.addi %add3A_408, %mul3A_406 : vector<16xi32>
    %add3A_410 = arith.constant 1 : i32
    %add3A_411 = vector.broadcast %add3A_410 : i32 to vector<16xi32>
    %add3A_412 = arith.addi %add3A_409, %add3A_411 : vector<16xi32>
    %add3A_413 = arith.constant 100000 : i32
    %add3A_414 = vector.broadcast %add3A_413 : i32 to vector<16xi32>
    %add3A_415 = arith.addi %get3A_391, %add3A_414 : vector<16xi32>
    tpu.vector_store_idx %arg6[%add3A_412], %add3A_415 : memref<1024xi32, #tpu.memory_space<vmem>>[vector<16xi32>], vector<16xi32>,
    %mul3A_416 = arith.constant 16 : i32
    %mul3A_417 = vector.broadcast %mul3A_416 : i32 to vector<16xi32>
    %mul3A_418 = arith.muli %iota3A, %mul3A_417 : vector<16xi32>
    %add3A_419 = arith.constant 512 : i32
    %add3A_420 = vector.broadcast %add3A_419 : i32 to vector<16xi32>
    %add3A_421 = arith.addi %add3A_420, %mul3A_418 : vector<16xi32>
    %add3A_422 = arith.constant 2 : i32
    %add3A_423 = vector.broadcast %add3A_422 : i32 to vector<16xi32>
    %add3A_424 = arith.addi %add3A_421, %add3A_423 : vector<16xi32>
    %add3A_425 = arith.constant 200000 : i32
    %add3A_426 = vector.broadcast %add3A_425 : i32 to vector<16xi32>
    %add3A_427 = arith.addi %get3A_391, %add3A_426 : vector<16xi32>
    tpu.vector_store_idx %arg6[%add3A_424], %add3A_427 : memref<1024xi32, #tpu.memory_space<vmem>>[vector<16xi32>], vector<16xi32>,
    %mul3A_428 = arith.constant 16 : i32
    %mul3A_429 = vector.broadcast %mul3A_428 : i32 to vector<16xi32>
    %mul3A_430 = arith.muli %iota3A, %mul3A_429 : vector<16xi32>
    %add3A_431 = arith.constant 512 : i32
    %add3A_432 = vector.broadcast %add3A_431 : i32 to vector<16xi32>
    %add3A_433 = arith.addi %add3A_432, %mul3A_430 : vector<16xi32>
    %add3A_434 = arith.constant 3 : i32
    %add3A_435 = vector.broadcast %add3A_434 : i32 to vector<16xi32>
    %add3A_436 = arith.addi %add3A_433, %add3A_435 : vector<16xi32>
    %add3A_437 = arith.constant 300000 : i32
    %add3A_438 = vector.broadcast %add3A_437 : i32 to vector<16xi32>
    %add3A_439 = arith.addi %get3A_391, %add3A_438 : vector<16xi32>
    tpu.vector_store_idx %arg6[%add3A_436], %add3A_439 : memref<1024xi32, #tpu.memory_space<vmem>>[vector<16xi32>], vector<16xi32>,
    %mul3A_440 = arith.constant 16 : i32
    %mul3A_441 = vector.broadcast %mul3A_440 : i32 to vector<16xi32>
    %mul3A_442 = arith.muli %iota3A, %mul3A_441 : vector<16xi32>
    %add3A_443 = arith.constant 512 : i32
    %add3A_444 = vector.broadcast %add3A_443 : i32 to vector<16xi32>
    %add3A_445 = arith.addi %add3A_444, %mul3A_442 : vector<16xi32>
    %add3A_446 = arith.constant 4 : i32
    %add3A_447 = vector.broadcast %add3A_446 : i32 to vector<16xi32>
    %add3A_448 = arith.addi %add3A_445, %add3A_447 : vector<16xi32>
    %add3A_449 = arith.constant 400000 : i32
    %add3A_450 = vector.broadcast %add3A_449 : i32 to vector<16xi32>
    %add3A_451 = arith.addi %get3A_391, %add3A_450 : vector<16xi32>
    tpu.vector_store_idx %arg6[%add3A_448], %add3A_451 : memref<1024xi32, #tpu.memory_space<vmem>>[vector<16xi32>], vector<16xi32>,
    %mul3A_452 = arith.constant 16 : i32
    %mul3A_453 = vector.broadcast %mul3A_452 : i32 to vector<16xi32>
    %mul3A_454 = arith.muli %iota3A, %mul3A_453 : vector<16xi32>
    %add3A_455 = arith.constant 512 : i32
    %add3A_456 = vector.broadcast %add3A_455 : i32 to vector<16xi32>
    %add3A_457 = arith.addi %add3A_456, %mul3A_454 : vector<16xi32>
    %add3A_458 = arith.constant 5 : i32
    %add3A_459 = vector.broadcast %add3A_458 : i32 to vector<16xi32>
    %add3A_460 = arith.addi %add3A_457, %add3A_459 : vector<16xi32>
    %add3A_461 = arith.constant 500000 : i32
    %add3A_462 = vector.broadcast %add3A_461 : i32 to vector<16xi32>
    %add3A_463 = arith.addi %get3A_391, %add3A_462 : vector<16xi32>
    tpu.vector_store_idx %arg6[%add3A_460], %add3A_463 : memref<1024xi32, #tpu.memory_space<vmem>>[vector<16xi32>], vector<16xi32>,
    %mul3A_464 = arith.constant 16 : i32
    %mul3A_465 = vector.broadcast %mul3A_464 : i32 to vector<16xi32>
    %mul3A_466 = arith.muli %iota3A, %mul3A_465 : vector<16xi32>
    %add3A_467 = arith.constant 512 : i32
    %add3A_468 = vector.broadcast %add3A_467 : i32 to vector<16xi32>
    %add3A_469 = arith.addi %add3A_468, %mul3A_466 : vector<16xi32>
    %add3A_470 = arith.constant 6 : i32
    %add3A_471 = vector.broadcast %add3A_470 : i32 to vector<16xi32>
    %add3A_472 = arith.addi %add3A_469, %add3A_471 : vector<16xi32>
    %add3A_473 = arith.constant 600000 : i32
    %add3A_474 = vector.broadcast %add3A_473 : i32 to vector<16xi32>
    %add3A_475 = arith.addi %get3A_391, %add3A_474 : vector<16xi32>
    tpu.vector_store_idx %arg6[%add3A_472], %add3A_475 : memref<1024xi32, #tpu.memory_space<vmem>>[vector<16xi32>], vector<16xi32>,
    %mul3A_476 = arith.constant 16 : i32
    %mul3A_477 = vector.broadcast %mul3A_476 : i32 to vector<16xi32>
    %mul3A_478 = arith.muli %iota3A, %mul3A_477 : vector<16xi32>
    %add3A_479 = arith.constant 512 : i32
    %add3A_480 = vector.broadcast %add3A_479 : i32 to vector<16xi32>
    %add3A_481 = arith.addi %add3A_480, %mul3A_478 : vector<16xi32>
    %add3A_482 = arith.constant 7 : i32
    %add3A_483 = vector.broadcast %add3A_482 : i32 to vector<16xi32>
    %add3A_484 = arith.addi %add3A_481, %add3A_483 : vector<16xi32>
    %add3A_485 = arith.constant 700000 : i32
    %add3A_486 = vector.broadcast %add3A_485 : i32 to vector<16xi32>
    %add3A_487 = arith.addi %get3A_391, %add3A_486 : vector<16xi32>
    tpu.vector_store_idx %arg6[%add3A_484], %add3A_487 : memref<1024xi32, #tpu.memory_space<vmem>>[vector<16xi32>], vector<16xi32>,
    %mul3A_488 = arith.constant 16 : i32
    %mul3A_489 = vector.broadcast %mul3A_488 : i32 to vector<16xi32>
    %mul3A_490 = arith.muli %iota3A, %mul3A_489 : vector<16xi32>
    %add3A_491 = arith.constant 512 : i32
    %add3A_492 = vector.broadcast %add3A_491 : i32 to vector<16xi32>
    %add3A_493 = arith.addi %add3A_492, %mul3A_490 : vector<16xi32>
    %add3A_494 = arith.constant 8 : i32
    %add3A_495 = vector.broadcast %add3A_494 : i32 to vector<16xi32>
    %add3A_496 = arith.addi %add3A_493, %add3A_495 : vector<16xi32>
    %add3A_497 = arith.constant 800000 : i32
    %add3A_498 = vector.broadcast %add3A_497 : i32 to vector<16xi32>
    %add3A_499 = arith.addi %get3A_391, %add3A_498 : vector<16xi32>
    tpu.vector_store_idx %arg6[%add3A_496], %add3A_499 : memref<1024xi32, #tpu.memory_space<vmem>>[vector<16xi32>], vector<16xi32>,
    %mul3A_500 = arith.constant 16 : i32
    %mul3A_501 = vector.broadcast %mul3A_500 : i32 to vector<16xi32>
    %mul3A_502 = arith.muli %iota3A, %mul3A_501 : vector<16xi32>
    %add3A_503 = arith.constant 512 : i32
    %add3A_504 = vector.broadcast %add3A_503 : i32 to vector<16xi32>
    %add3A_505 = arith.addi %add3A_504, %mul3A_502 : vector<16xi32>
    %add3A_506 = arith.constant 9 : i32
    %add3A_507 = vector.broadcast %add3A_506 : i32 to vector<16xi32>
    %add3A_508 = arith.addi %add3A_505, %add3A_507 : vector<16xi32>
    %add3A_509 = arith.constant 900000 : i32
    %add3A_510 = vector.broadcast %add3A_509 : i32 to vector<16xi32>
    %add3A_511 = arith.addi %get3A_391, %add3A_510 : vector<16xi32>
    tpu.vector_store_idx %arg6[%add3A_508], %add3A_511 : memref<1024xi32, #tpu.memory_space<vmem>>[vector<16xi32>], vector<16xi32>,
    %mul3A_512 = arith.constant 16 : i32
    %mul3A_513 = vector.broadcast %mul3A_512 : i32 to vector<16xi32>
    %mul3A_514 = arith.muli %iota3A, %mul3A_513 : vector<16xi32>
    %add3A_515 = arith.constant 512 : i32
    %add3A_516 = vector.broadcast %add3A_515 : i32 to vector<16xi32>
    %add3A_517 = arith.addi %add3A_516, %mul3A_514 : vector<16xi32>
    %add3A_518 = arith.constant 10 : i32
    %add3A_519 = vector.broadcast %add3A_518 : i32 to vector<16xi32>
    %add3A_520 = arith.addi %add3A_517, %add3A_519 : vector<16xi32>
    %add3A_521 = arith.constant 1000000 : i32
    %add3A_522 = vector.broadcast %add3A_521 : i32 to vector<16xi32>
    %add3A_523 = arith.addi %get3A_391, %add3A_522 : vector<16xi32>
    tpu.vector_store_idx %arg6[%add3A_520], %add3A_523 : memref<1024xi32, #tpu.memory_space<vmem>>[vector<16xi32>], vector<16xi32>,
    %mul3A_524 = arith.constant 16 : i32
    %mul3A_525 = vector.broadcast %mul3A_524 : i32 to vector<16xi32>
    %mul3A_526 = arith.muli %iota3A, %mul3A_525 : vector<16xi32>
    %add3A_527 = arith.constant 512 : i32
    %add3A_528 = vector.broadcast %add3A_527 : i32 to vector<16xi32>
    %add3A_529 = arith.addi %add3A_528, %mul3A_526 : vector<16xi32>
    %add3A_530 = arith.constant 11 : i32
    %add3A_531 = vector.broadcast %add3A_530 : i32 to vector<16xi32>
    %add3A_532 = arith.addi %add3A_529, %add3A_531 : vector<16xi32>
    %add3A_533 = arith.constant 1100000 : i32
    %add3A_534 = vector.broadcast %add3A_533 : i32 to vector<16xi32>
    %add3A_535 = arith.addi %get3A_391, %add3A_534 : vector<16xi32>
    tpu.vector_store_idx %arg6[%add3A_532], %add3A_535 : memref<1024xi32, #tpu.memory_space<vmem>>[vector<16xi32>], vector<16xi32>,
    %mul3A_536 = arith.constant 16 : i32
    %mul3A_537 = vector.broadcast %mul3A_536 : i32 to vector<16xi32>
    %mul3A_538 = arith.muli %iota3A, %mul3A_537 : vector<16xi32>
    %add3A_539 = arith.constant 512 : i32
    %add3A_540 = vector.broadcast %add3A_539 : i32 to vector<16xi32>
    %add3A_541 = arith.addi %add3A_540, %mul3A_538 : vector<16xi32>
    %add3A_542 = arith.constant 12 : i32
    %add3A_543 = vector.broadcast %add3A_542 : i32 to vector<16xi32>
    %add3A_544 = arith.addi %add3A_541, %add3A_543 : vector<16xi32>
    %add3A_545 = arith.constant 1200000 : i32
    %add3A_546 = vector.broadcast %add3A_545 : i32 to vector<16xi32>
    %add3A_547 = arith.addi %get3A_391, %add3A_546 : vector<16xi32>
    tpu.vector_store_idx %arg6[%add3A_544], %add3A_547 : memref<1024xi32, #tpu.memory_space<vmem>>[vector<16xi32>], vector<16xi32>,
    %mul3A_548 = arith.constant 16 : i32
    %mul3A_549 = vector.broadcast %mul3A_548 : i32 to vector<16xi32>
    %mul3A_550 = arith.muli %iota3A, %mul3A_549 : vector<16xi32>
    %add3A_551 = arith.constant 512 : i32
    %add3A_552 = vector.broadcast %add3A_551 : i32 to vector<16xi32>
    %add3A_553 = arith.addi %add3A_552, %mul3A_550 : vector<16xi32>
    %add3A_554 = arith.constant 13 : i32
    %add3A_555 = vector.broadcast %add3A_554 : i32 to vector<16xi32>
    %add3A_556 = arith.addi %add3A_553, %add3A_555 : vector<16xi32>
    %add3A_557 = arith.constant 1300000 : i32
    %add3A_558 = vector.broadcast %add3A_557 : i32 to vector<16xi32>
    %add3A_559 = arith.addi %get3A_391, %add3A_558 : vector<16xi32>
    tpu.vector_store_idx %arg6[%add3A_556], %add3A_559 : memref<1024xi32, #tpu.memory_space<vmem>>[vector<16xi32>], vector<16xi32>,
    %mul3A_560 = arith.constant 16 : i32
    %mul3A_561 = vector.broadcast %mul3A_560 : i32 to vector<16xi32>
    %mul3A_562 = arith.muli %iota3A, %mul3A_561 : vector<16xi32>
    %add3A_563 = arith.constant 512 : i32
    %add3A_564 = vector.broadcast %add3A_563 : i32 to vector<16xi32>
    %add3A_565 = arith.addi %add3A_564, %mul3A_562 : vector<16xi32>
    %add3A_566 = arith.constant 14 : i32
    %add3A_567 = vector.broadcast %add3A_566 : i32 to vector<16xi32>
    %add3A_568 = arith.addi %add3A_565, %add3A_567 : vector<16xi32>
    %add3A_569 = arith.constant 1400000 : i32
    %add3A_570 = vector.broadcast %add3A_569 : i32 to vector<16xi32>
    %add3A_571 = arith.addi %get3A_391, %add3A_570 : vector<16xi32>
    tpu.vector_store_idx %arg6[%add3A_568], %add3A_571 : memref<1024xi32, #tpu.memory_space<vmem>>[vector<16xi32>], vector<16xi32>,
    %mul3A_572 = arith.constant 16 : i32
    %mul3A_573 = vector.broadcast %mul3A_572 : i32 to vector<16xi32>
    %mul3A_574 = arith.muli %iota3A, %mul3A_573 : vector<16xi32>
    %add3A_575 = arith.constant 512 : i32
    %add3A_576 = vector.broadcast %add3A_575 : i32 to vector<16xi32>
    %add3A_577 = arith.addi %add3A_576, %mul3A_574 : vector<16xi32>
    %add3A_578 = arith.constant 15 : i32
    %add3A_579 = vector.broadcast %add3A_578 : i32 to vector<16xi32>
    %add3A_580 = arith.addi %add3A_577, %add3A_579 : vector<16xi32>
    %add3A_581 = arith.constant 1500000 : i32
    %add3A_582 = vector.broadcast %add3A_581 : i32 to vector<16xi32>
    %add3A_583 = arith.addi %get3A_391, %add3A_582 : vector<16xi32>
    tpu.vector_store_idx %arg6[%add3A_580], %add3A_583 : memref<1024xi32, #tpu.memory_space<vmem>>[vector<16xi32>], vector<16xi32>,
    %get3A_584 = arith.constant 48 : index
    %get3A_585 = tpu.vector_load %arg5[%get3A_584] {strides = array<i32>} : memref<64xi32, #tpu.memory_space<vmem>>, vector<16xi32>,
    %mul3A_586 = arith.constant 16 : i32
    %mul3A_587 = vector.broadcast %mul3A_586 : i32 to vector<16xi32>
    %mul3A_588 = arith.muli %iota3A, %mul3A_587 : vector<16xi32>
    %add3A_589 = arith.constant 768 : i32
    %add3A_590 = vector.broadcast %add3A_589 : i32 to vector<16xi32>
    %add3A_591 = arith.addi %add3A_590, %mul3A_588 : vector<16xi32>
    %add3A_592 = arith.constant 0 : i32
    %add3A_593 = vector.broadcast %add3A_592 : i32 to vector<16xi32>
    %add3A_594 = arith.addi %add3A_591, %add3A_593 : vector<16xi32>
    %add3A_595 = arith.constant 0 : i32
    %add3A_596 = vector.broadcast %add3A_595 : i32 to vector<16xi32>
    %add3A_597 = arith.addi %get3A_585, %add3A_596 : vector<16xi32>
    tpu.vector_store_idx %arg6[%add3A_594], %add3A_597 : memref<1024xi32, #tpu.memory_space<vmem>>[vector<16xi32>], vector<16xi32>,
    %mul3A_598 = arith.constant 16 : i32
    %mul3A_599 = vector.broadcast %mul3A_598 : i32 to vector<16xi32>
    %mul3A_600 = arith.muli %iota3A, %mul3A_599 : vector<16xi32>
    %add3A_601 = arith.constant 768 : i32
    %add3A_602 = vector.broadcast %add3A_601 : i32 to vector<16xi32>
    %add3A_603 = arith.addi %add3A_602, %mul3A_600 : vector<16xi32>
    %add3A_604 = arith.constant 1 : i32
    %add3A_605 = vector.broadcast %add3A_604 : i32 to vector<16xi32>
    %add3A_606 = arith.addi %add3A_603, %add3A_605 : vector<16xi32>
    %add3A_607 = arith.constant 100000 : i32
    %add3A_608 = vector.broadcast %add3A_607 : i32 to vector<16xi32>
    %add3A_609 = arith.addi %get3A_585, %add3A_608 : vector<16xi32>
    tpu.vector_store_idx %arg6[%add3A_606], %add3A_609 : memref<1024xi32, #tpu.memory_space<vmem>>[vector<16xi32>], vector<16xi32>,
    %mul3A_610 = arith.constant 16 : i32
    %mul3A_611 = vector.broadcast %mul3A_610 : i32 to vector<16xi32>
    %mul3A_612 = arith.muli %iota3A, %mul3A_611 : vector<16xi32>
    %add3A_613 = arith.constant 768 : i32
    %add3A_614 = vector.broadcast %add3A_613 : i32 to vector<16xi32>
    %add3A_615 = arith.addi %add3A_614, %mul3A_612 : vector<16xi32>
    %add3A_616 = arith.constant 2 : i32
    %add3A_617 = vector.broadcast %add3A_616 : i32 to vector<16xi32>
    %add3A_618 = arith.addi %add3A_615, %add3A_617 : vector<16xi32>
    %add3A_619 = arith.constant 200000 : i32
    %add3A_620 = vector.broadcast %add3A_619 : i32 to vector<16xi32>
    %add3A_621 = arith.addi %get3A_585, %add3A_620 : vector<16xi32>
    tpu.vector_store_idx %arg6[%add3A_618], %add3A_621 : memref<1024xi32, #tpu.memory_space<vmem>>[vector<16xi32>], vector<16xi32>,
    %mul3A_622 = arith.constant 16 : i32
    %mul3A_623 = vector.broadcast %mul3A_622 : i32 to vector<16xi32>
    %mul3A_624 = arith.muli %iota3A, %mul3A_623 : vector<16xi32>
    %add3A_625 = arith.constant 768 : i32
    %add3A_626 = vector.broadcast %add3A_625 : i32 to vector<16xi32>
    %add3A_627 = arith.addi %add3A_626, %mul3A_624 : vector<16xi32>
    %add3A_628 = arith.constant 3 : i32
    %add3A_629 = vector.broadcast %add3A_628 : i32 to vector<16xi32>
    %add3A_630 = arith.addi %add3A_627, %add3A_629 : vector<16xi32>
    %add3A_631 = arith.constant 300000 : i32
    %add3A_632 = vector.broadcast %add3A_631 : i32 to vector<16xi32>
    %add3A_633 = arith.addi %get3A_585, %add3A_632 : vector<16xi32>
    tpu.vector_store_idx %arg6[%add3A_630], %add3A_633 : memref<1024xi32, #tpu.memory_space<vmem>>[vector<16xi32>], vector<16xi32>,
    %mul3A_634 = arith.constant 16 : i32
    %mul3A_635 = vector.broadcast %mul3A_634 : i32 to vector<16xi32>
    %mul3A_636 = arith.muli %iota3A, %mul3A_635 : vector<16xi32>
    %add3A_637 = arith.constant 768 : i32
    %add3A_638 = vector.broadcast %add3A_637 : i32 to vector<16xi32>
    %add3A_639 = arith.addi %add3A_638, %mul3A_636 : vector<16xi32>
    %add3A_640 = arith.constant 4 : i32
    %add3A_641 = vector.broadcast %add3A_640 : i32 to vector<16xi32>
    %add3A_642 = arith.addi %add3A_639, %add3A_641 : vector<16xi32>
    %add3A_643 = arith.constant 400000 : i32
    %add3A_644 = vector.broadcast %add3A_643 : i32 to vector<16xi32>
    %add3A_645 = arith.addi %get3A_585, %add3A_644 : vector<16xi32>
    tpu.vector_store_idx %arg6[%add3A_642], %add3A_645 : memref<1024xi32, #tpu.memory_space<vmem>>[vector<16xi32>], vector<16xi32>,
    %mul3A_646 = arith.constant 16 : i32
    %mul3A_647 = vector.broadcast %mul3A_646 : i32 to vector<16xi32>
    %mul3A_648 = arith.muli %iota3A, %mul3A_647 : vector<16xi32>
    %add3A_649 = arith.constant 768 : i32
    %add3A_650 = vector.broadcast %add3A_649 : i32 to vector<16xi32>
    %add3A_651 = arith.addi %add3A_650, %mul3A_648 : vector<16xi32>
    %add3A_652 = arith.constant 5 : i32
    %add3A_653 = vector.broadcast %add3A_652 : i32 to vector<16xi32>
    %add3A_654 = arith.addi %add3A_651, %add3A_653 : vector<16xi32>
    %add3A_655 = arith.constant 500000 : i32
    %add3A_656 = vector.broadcast %add3A_655 : i32 to vector<16xi32>
    %add3A_657 = arith.addi %get3A_585, %add3A_656 : vector<16xi32>
    tpu.vector_store_idx %arg6[%add3A_654], %add3A_657 : memref<1024xi32, #tpu.memory_space<vmem>>[vector<16xi32>], vector<16xi32>,
    %mul3A_658 = arith.constant 16 : i32
    %mul3A_659 = vector.broadcast %mul3A_658 : i32 to vector<16xi32>
    %mul3A_660 = arith.muli %iota3A, %mul3A_659 : vector<16xi32>
    %add3A_661 = arith.constant 768 : i32
    %add3A_662 = vector.broadcast %add3A_661 : i32 to vector<16xi32>
    %add3A_663 = arith.addi %add3A_662, %mul3A_660 : vector<16xi32>
    %add3A_664 = arith.constant 6 : i32
    %add3A_665 = vector.broadcast %add3A_664 : i32 to vector<16xi32>
    %add3A_666 = arith.addi %add3A_663, %add3A_665 : vector<16xi32>
    %add3A_667 = arith.constant 600000 : i32
    %add3A_668 = vector.broadcast %add3A_667 : i32 to vector<16xi32>
    %add3A_669 = arith.addi %get3A_585, %add3A_668 : vector<16xi32>
    tpu.vector_store_idx %arg6[%add3A_666], %add3A_669 : memref<1024xi32, #tpu.memory_space<vmem>>[vector<16xi32>], vector<16xi32>,
    %mul3A_670 = arith.constant 16 : i32
    %mul3A_671 = vector.broadcast %mul3A_670 : i32 to vector<16xi32>
    %mul3A_672 = arith.muli %iota3A, %mul3A_671 : vector<16xi32>
    %add3A_673 = arith.constant 768 : i32
    %add3A_674 = vector.broadcast %add3A_673 : i32 to vector<16xi32>
    %add3A_675 = arith.addi %add3A_674, %mul3A_672 : vector<16xi32>
    %add3A_676 = arith.constant 7 : i32
    %add3A_677 = vector.broadcast %add3A_676 : i32 to vector<16xi32>
    %add3A_678 = arith.addi %add3A_675, %add3A_677 : vector<16xi32>
    %add3A_679 = arith.constant 700000 : i32
    %add3A_680 = vector.broadcast %add3A_679 : i32 to vector<16xi32>
    %add3A_681 = arith.addi %get3A_585, %add3A_680 : vector<16xi32>
    tpu.vector_store_idx %arg6[%add3A_678], %add3A_681 : memref<1024xi32, #tpu.memory_space<vmem>>[vector<16xi32>], vector<16xi32>,
    %mul3A_682 = arith.constant 16 : i32
    %mul3A_683 = vector.broadcast %mul3A_682 : i32 to vector<16xi32>
    %mul3A_684 = arith.muli %iota3A, %mul3A_683 : vector<16xi32>
    %add3A_685 = arith.constant 768 : i32
    %add3A_686 = vector.broadcast %add3A_685 : i32 to vector<16xi32>
    %add3A_687 = arith.addi %add3A_686, %mul3A_684 : vector<16xi32>
    %add3A_688 = arith.constant 8 : i32
    %add3A_689 = vector.broadcast %add3A_688 : i32 to vector<16xi32>
    %add3A_690 = arith.addi %add3A_687, %add3A_689 : vector<16xi32>
    %add3A_691 = arith.constant 800000 : i32
    %add3A_692 = vector.broadcast %add3A_691 : i32 to vector<16xi32>
    %add3A_693 = arith.addi %get3A_585, %add3A_692 : vector<16xi32>
    tpu.vector_store_idx %arg6[%add3A_690], %add3A_693 : memref<1024xi32, #tpu.memory_space<vmem>>[vector<16xi32>], vector<16xi32>,
    %mul3A_694 = arith.constant 16 : i32
    %mul3A_695 = vector.broadcast %mul3A_694 : i32 to vector<16xi32>
    %mul3A_696 = arith.muli %iota3A, %mul3A_695 : vector<16xi32>
    %add3A_697 = arith.constant 768 : i32
    %add3A_698 = vector.broadcast %add3A_697 : i32 to vector<16xi32>
    %add3A_699 = arith.addi %add3A_698, %mul3A_696 : vector<16xi32>
    %add3A_700 = arith.constant 9 : i32
    %add3A_701 = vector.broadcast %add3A_700 : i32 to vector<16xi32>
    %add3A_702 = arith.addi %add3A_699, %add3A_701 : vector<16xi32>
    %add3A_703 = arith.constant 900000 : i32
    %add3A_704 = vector.broadcast %add3A_703 : i32 to vector<16xi32>
    %add3A_705 = arith.addi %get3A_585, %add3A_704 : vector<16xi32>
    tpu.vector_store_idx %arg6[%add3A_702], %add3A_705 : memref<1024xi32, #tpu.memory_space<vmem>>[vector<16xi32>], vector<16xi32>,
    %mul3A_706 = arith.constant 16 : i32
    %mul3A_707 = vector.broadcast %mul3A_706 : i32 to vector<16xi32>
    %mul3A_708 = arith.muli %iota3A, %mul3A_707 : vector<16xi32>
    %add3A_709 = arith.constant 768 : i32
    %add3A_710 = vector.broadcast %add3A_709 : i32 to vector<16xi32>
    %add3A_711 = arith.addi %add3A_710, %mul3A_708 : vector<16xi32>
    %add3A_712 = arith.constant 10 : i32
    %add3A_713 = vector.broadcast %add3A_712 : i32 to vector<16xi32>
    %add3A_714 = arith.addi %add3A_711, %add3A_713 : vector<16xi32>
    %add3A_715 = arith.constant 1000000 : i32
    %add3A_716 = vector.broadcast %add3A_715 : i32 to vector<16xi32>
    %add3A_717 = arith.addi %get3A_585, %add3A_716 : vector<16xi32>
    tpu.vector_store_idx %arg6[%add3A_714], %add3A_717 : memref<1024xi32, #tpu.memory_space<vmem>>[vector<16xi32>], vector<16xi32>,
    %mul3A_718 = arith.constant 16 : i32
    %mul3A_719 = vector.broadcast %mul3A_718 : i32 to vector<16xi32>
    %mul3A_720 = arith.muli %iota3A, %mul3A_719 : vector<16xi32>
    %add3A_721 = arith.constant 768 : i32
    %add3A_722 = vector.broadcast %add3A_721 : i32 to vector<16xi32>
    %add3A_723 = arith.addi %add3A_722, %mul3A_720 : vector<16xi32>
    %add3A_724 = arith.constant 11 : i32
    %add3A_725 = vector.broadcast %add3A_724 : i32 to vector<16xi32>
    %add3A_726 = arith.addi %add3A_723, %add3A_725 : vector<16xi32>
    %add3A_727 = arith.constant 1100000 : i32
    %add3A_728 = vector.broadcast %add3A_727 : i32 to vector<16xi32>
    %add3A_729 = arith.addi %get3A_585, %add3A_728 : vector<16xi32>
    tpu.vector_store_idx %arg6[%add3A_726], %add3A_729 : memref<1024xi32, #tpu.memory_space<vmem>>[vector<16xi32>], vector<16xi32>,
    %mul3A_730 = arith.constant 16 : i32
    %mul3A_731 = vector.broadcast %mul3A_730 : i32 to vector<16xi32>
    %mul3A_732 = arith.muli %iota3A, %mul3A_731 : vector<16xi32>
    %add3A_733 = arith.constant 768 : i32
    %add3A_734 = vector.broadcast %add3A_733 : i32 to vector<16xi32>
    %add3A_735 = arith.addi %add3A_734, %mul3A_732 : vector<16xi32>
    %add3A_736 = arith.constant 12 : i32
    %add3A_737 = vector.broadcast %add3A_736 : i32 to vector<16xi32>
    %add3A_738 = arith.addi %add3A_735, %add3A_737 : vector<16xi32>
    %add3A_739 = arith.constant 1200000 : i32
    %add3A_740 = vector.broadcast %add3A_739 : i32 to vector<16xi32>
    %add3A_741 = arith.addi %get3A_585, %add3A_740 : vector<16xi32>
    tpu.vector_store_idx %arg6[%add3A_738], %add3A_741 : memref<1024xi32, #tpu.memory_space<vmem>>[vector<16xi32>], vector<16xi32>,
    %mul3A_742 = arith.constant 16 : i32
    %mul3A_743 = vector.broadcast %mul3A_742 : i32 to vector<16xi32>
    %mul3A_744 = arith.muli %iota3A, %mul3A_743 : vector<16xi32>
    %add3A_745 = arith.constant 768 : i32
    %add3A_746 = vector.broadcast %add3A_745 : i32 to vector<16xi32>
    %add3A_747 = arith.addi %add3A_746, %mul3A_744 : vector<16xi32>
    %add3A_748 = arith.constant 13 : i32
    %add3A_749 = vector.broadcast %add3A_748 : i32 to vector<16xi32>
    %add3A_750 = arith.addi %add3A_747, %add3A_749 : vector<16xi32>
    %add3A_751 = arith.constant 1300000 : i32
    %add3A_752 = vector.broadcast %add3A_751 : i32 to vector<16xi32>
    %add3A_753 = arith.addi %get3A_585, %add3A_752 : vector<16xi32>
    tpu.vector_store_idx %arg6[%add3A_750], %add3A_753 : memref<1024xi32, #tpu.memory_space<vmem>>[vector<16xi32>], vector<16xi32>,
    %mul3A_754 = arith.constant 16 : i32
    %mul3A_755 = vector.broadcast %mul3A_754 : i32 to vector<16xi32>
    %mul3A_756 = arith.muli %iota3A, %mul3A_755 : vector<16xi32>
    %add3A_757 = arith.constant 768 : i32
    %add3A_758 = vector.broadcast %add3A_757 : i32 to vector<16xi32>
    %add3A_759 = arith.addi %add3A_758, %mul3A_756 : vector<16xi32>
    %add3A_760 = arith.constant 14 : i32
    %add3A_761 = vector.broadcast %add3A_760 : i32 to vector<16xi32>
    %add3A_762 = arith.addi %add3A_759, %add3A_761 : vector<16xi32>
    %add3A_763 = arith.constant 1400000 : i32
    %add3A_764 = vector.broadcast %add3A_763 : i32 to vector<16xi32>
    %add3A_765 = arith.addi %get3A_585, %add3A_764 : vector<16xi32>
    tpu.vector_store_idx %arg6[%add3A_762], %add3A_765 : memref<1024xi32, #tpu.memory_space<vmem>>[vector<16xi32>], vector<16xi32>,
    %mul3A_766 = arith.constant 16 : i32
    %mul3A_767 = vector.broadcast %mul3A_766 : i32 to vector<16xi32>
    %mul3A_768 = arith.muli %iota3A, %mul3A_767 : vector<16xi32>
    %add3A_769 = arith.constant 768 : i32
    %add3A_770 = vector.broadcast %add3A_769 : i32 to vector<16xi32>
    %add3A_771 = arith.addi %add3A_770, %mul3A_768 : vector<16xi32>
    %add3A_772 = arith.constant 15 : i32
    %add3A_773 = vector.broadcast %add3A_772 : i32 to vector<16xi32>
    %add3A_774 = arith.addi %add3A_771, %add3A_773 : vector<16xi32>
    %add3A_775 = arith.constant 1500000 : i32
    %add3A_776 = vector.broadcast %add3A_775 : i32 to vector<16xi32>
    %add3A_777 = arith.addi %get3A_585, %add3A_776 : vector<16xi32>
    tpu.vector_store_idx %arg6[%add3A_774], %add3A_777 : memref<1024xi32, #tpu.memory_space<vmem>>[vector<16xi32>], vector<16xi32>,
    %dma_start3A = arith.constant 0 : i32
    %dma_start3A_778 = arith.constant 0 : i32
    %dma_start3A_779 = tpu.memref_slice %arg7[%dma_start3A, %dma_start3A_778] : memref<8x128xf32, #tpu.memory_space<vmem>> -> memref<1x128xf32, #tpu.memory_space<vmem>>
    %dma_start3A_780 = tpu.memref_squeeze %dma_start3A_779 : memref<1x128xf32, #tpu.memory_space<vmem>> -> memref<128xf32, #tpu.memory_space<vmem>>
    %dma_start3A_781 = arith.constant 0 : i32
    %dma_start3A_782 = tpu.memref_slice %arg6[%dma_start3A_781] : memref<1024xi32, #tpu.memory_space<vmem>> -> memref<128xi32, #tpu.memory_space<vmem>>
    %dma_start3A_783 = arith.constant 0 : i32
    %dma_start3A_784 = tpu.memref_slice %arg2[%dma_start3A_783] : memref<1600000xf32, #tpu.memory_space<hbm>> -> memref<1600000xf32, #tpu.memory_space<hbm>>
    tpu.enqueue_indirect_dma source(%dma_start3A_784 : memref<1600000xf32, #tpu.memory_space<hbm>>) target(%dma_start3A_780 : memref<128xf32, #tpu.memory_space<vmem>>) offsets(%dma_start3A_782 : memref<128xi32, #tpu.memory_space<vmem>>) semaphore(%arg8 : memref<!tpu.dma_semaphore, #tpu.memory_space<semaphore_mem>>)
    %dma_start3A_785 = arith.constant 1 : i32
    %dma_start3A_786 = arith.constant 0 : i32
    %dma_start3A_787 = tpu.memref_slice %arg7[%dma_start3A_785, %dma_start3A_786] : memref<8x128xf32, #tpu.memory_space<vmem>> -> memref<1x128xf32, #tpu.memory_space<vmem>>
    %dma_start3A_788 = tpu.memref_squeeze %dma_start3A_787 : memref<1x128xf32, #tpu.memory_space<vmem>> -> memref<128xf32, #tpu.memory_space<vmem>>
    %dma_start3A_789 = arith.constant 128 : i32
    %dma_start3A_790 = tpu.memref_slice %arg6[%dma_start3A_789] : memref<1024xi32, #tpu.memory_space<vmem>> -> memref<128xi32, #tpu.memory_space<vmem>>
    %dma_start3A_791 = arith.constant 0 : i32
    %dma_start3A_792 = tpu.memref_slice %arg2[%dma_start3A_791] : memref<1600000xf32, #tpu.memory_space<hbm>> -> memref<1600000xf32, #tpu.memory_space<hbm>>
    tpu.enqueue_indirect_dma source(%dma_start3A_792 : memref<1600000xf32, #tpu.memory_space<hbm>>) target(%dma_start3A_788 : memref<128xf32, #tpu.memory_space<vmem>>) offsets(%dma_start3A_790 : memref<128xi32, #tpu.memory_space<vmem>>) semaphore(%arg8 : memref<!tpu.dma_semaphore, #tpu.memory_space<semaphore_mem>>)
    %dma_start3A_793 = arith.constant 2 : i32
    %dma_start3A_794 = arith.constant 0 : i32
    %dma_start3A_795 = tpu.memref_slice %arg7[%dma_start3A_793, %dma_start3A_794] : memref<8x128xf32, #tpu.memory_space<vmem>> -> memref<1x128xf32, #tpu.memory_space<vmem>>
    %dma_start3A_796 = tpu.memref_squeeze %dma_start3A_795 : memref<1x128xf32, #tpu.memory_space<vmem>> -> memref<128xf32, #tpu.memory_space<vmem>>
    %dma_start3A_797 = arith.constant 256 : i32
    %dma_start3A_798 = tpu.memref_slice %arg6[%dma_start3A_797] : memref<1024xi32, #tpu.memory_space<vmem>> -> memref<128xi32, #tpu.memory_space<vmem>>
    %dma_start3A_799 = arith.constant 0 : i32
    %dma_start3A_800 = tpu.memref_slice %arg2[%dma_start3A_799] : memref<1600000xf32, #tpu.memory_space<hbm>> -> memref<1600000xf32, #tpu.memory_space<hbm>>
    tpu.enqueue_indirect_dma source(%dma_start3A_800 : memref<1600000xf32, #tpu.memory_space<hbm>>) target(%dma_start3A_796 : memref<128xf32, #tpu.memory_space<vmem>>) offsets(%dma_start3A_798 : memref<128xi32, #tpu.memory_space<vmem>>) semaphore(%arg8 : memref<!tpu.dma_semaphore, #tpu.memory_space<semaphore_mem>>)
    %dma_start3A_801 = arith.constant 3 : i32
    %dma_start3A_802 = arith.constant 0 : i32
    %dma_start3A_803 = tpu.memref_slice %arg7[%dma_start3A_801, %dma_start3A_802] : memref<8x128xf32, #tpu.memory_space<vmem>> -> memref<1x128xf32, #tpu.memory_space<vmem>>
    %dma_start3A_804 = tpu.memref_squeeze %dma_start3A_803 : memref<1x128xf32, #tpu.memory_space<vmem>> -> memref<128xf32, #tpu.memory_space<vmem>>
    %dma_start3A_805 = arith.constant 384 : i32
    %dma_start3A_806 = tpu.memref_slice %arg6[%dma_start3A_805] : memref<1024xi32, #tpu.memory_space<vmem>> -> memref<128xi32, #tpu.memory_space<vmem>>
    %dma_start3A_807 = arith.constant 0 : i32
    %dma_start3A_808 = tpu.memref_slice %arg2[%dma_start3A_807] : memref<1600000xf32, #tpu.memory_space<hbm>> -> memref<1600000xf32, #tpu.memory_space<hbm>>
    tpu.enqueue_indirect_dma source(%dma_start3A_808 : memref<1600000xf32, #tpu.memory_space<hbm>>) target(%dma_start3A_804 : memref<128xf32, #tpu.memory_space<vmem>>) offsets(%dma_start3A_806 : memref<128xi32, #tpu.memory_space<vmem>>) semaphore(%arg8 : memref<!tpu.dma_semaphore, #tpu.memory_space<semaphore_mem>>)
    %dma_start3A_809 = arith.constant 4 : i32
    %dma_start3A_810 = arith.constant 0 : i32
    %dma_start3A_811 = tpu.memref_slice %arg7[%dma_start3A_809, %dma_start3A_810] : memref<8x128xf32, #tpu.memory_space<vmem>> -> memref<1x128xf32, #tpu.memory_space<vmem>>
    %dma_start3A_812 = tpu.memref_squeeze %dma_start3A_811 : memref<1x128xf32, #tpu.memory_space<vmem>> -> memref<128xf32, #tpu.memory_space<vmem>>
    %dma_start3A_813 = arith.constant 512 : i32
    %dma_start3A_814 = tpu.memref_slice %arg6[%dma_start3A_813] : memref<1024xi32, #tpu.memory_space<vmem>> -> memref<128xi32, #tpu.memory_space<vmem>>
    %dma_start3A_815 = arith.constant 0 : i32
    %dma_start3A_816 = tpu.memref_slice %arg2[%dma_start3A_815] : memref<1600000xf32, #tpu.memory_space<hbm>> -> memref<1600000xf32, #tpu.memory_space<hbm>>
    tpu.enqueue_indirect_dma source(%dma_start3A_816 : memref<1600000xf32, #tpu.memory_space<hbm>>) target(%dma_start3A_812 : memref<128xf32, #tpu.memory_space<vmem>>) offsets(%dma_start3A_814 : memref<128xi32, #tpu.memory_space<vmem>>) semaphore(%arg8 : memref<!tpu.dma_semaphore, #tpu.memory_space<semaphore_mem>>)
    %dma_start3A_817 = arith.constant 5 : i32
    %dma_start3A_818 = arith.constant 0 : i32
    %dma_start3A_819 = tpu.memref_slice %arg7[%dma_start3A_817, %dma_start3A_818] : memref<8x128xf32, #tpu.memory_space<vmem>> -> memref<1x128xf32, #tpu.memory_space<vmem>>
    %dma_start3A_820 = tpu.memref_squeeze %dma_start3A_819 : memref<1x128xf32, #tpu.memory_space<vmem>> -> memref<128xf32, #tpu.memory_space<vmem>>
    %dma_start3A_821 = arith.constant 640 : i32
    %dma_start3A_822 = tpu.memref_slice %arg6[%dma_start3A_821] : memref<1024xi32, #tpu.memory_space<vmem>> -> memref<128xi32, #tpu.memory_space<vmem>>
    %dma_start3A_823 = arith.constant 0 : i32
    %dma_start3A_824 = tpu.memref_slice %arg2[%dma_start3A_823] : memref<1600000xf32, #tpu.memory_space<hbm>> -> memref<1600000xf32, #tpu.memory_space<hbm>>
    tpu.enqueue_indirect_dma source(%dma_start3A_824 : memref<1600000xf32, #tpu.memory_space<hbm>>) target(%dma_start3A_820 : memref<128xf32, #tpu.memory_space<vmem>>) offsets(%dma_start3A_822 : memref<128xi32, #tpu.memory_space<vmem>>) semaphore(%arg8 : memref<!tpu.dma_semaphore, #tpu.memory_space<semaphore_mem>>)
    %dma_start3A_825 = arith.constant 6 : i32
    %dma_start3A_826 = arith.constant 0 : i32
    %dma_start3A_827 = tpu.memref_slice %arg7[%dma_start3A_825, %dma_start3A_826] : memref<8x128xf32, #tpu.memory_space<vmem>> -> memref<1x128xf32, #tpu.memory_space<vmem>>
    %dma_start3A_828 = tpu.memref_squeeze %dma_start3A_827 : memref<1x128xf32, #tpu.memory_space<vmem>> -> memref<128xf32, #tpu.memory_space<vmem>>
    %dma_start3A_829 = arith.constant 768 : i32
    %dma_start3A_830 = tpu.memref_slice %arg6[%dma_start3A_829] : memref<1024xi32, #tpu.memory_space<vmem>> -> memref<128xi32, #tpu.memory_space<vmem>>
    %dma_start3A_831 = arith.constant 0 : i32
    %dma_start3A_832 = tpu.memref_slice %arg2[%dma_start3A_831] : memref<1600000xf32, #tpu.memory_space<hbm>> -> memref<1600000xf32, #tpu.memory_space<hbm>>
    tpu.enqueue_indirect_dma source(%dma_start3A_832 : memref<1600000xf32, #tpu.memory_space<hbm>>) target(%dma_start3A_828 : memref<128xf32, #tpu.memory_space<vmem>>) offsets(%dma_start3A_830 : memref<128xi32, #tpu.memory_space<vmem>>) semaphore(%arg8 : memref<!tpu.dma_semaphore, #tpu.memory_space<semaphore_mem>>)
    %dma_start3A_833 = arith.constant 7 : i32
    %dma_start3A_834 = arith.constant 0 : i32
    %dma_start3A_835 = tpu.memref_slice %arg7[%dma_start3A_833, %dma_start3A_834] : memref<8x128xf32, #tpu.memory_space<vmem>> -> memref<1x128xf32, #tpu.memory_space<vmem>>
    %dma_start3A_836 = tpu.memref_squeeze %dma_start3A_835 : memref<1x128xf32, #tpu.memory_space<vmem>> -> memref<128xf32, #tpu.memory_space<vmem>>
    %dma_start3A_837 = arith.constant 896 : i32
    %dma_start3A_838 = tpu.memref_slice %arg6[%dma_start3A_837] : memref<1024xi32, #tpu.memory_space<vmem>> -> memref<128xi32, #tpu.memory_space<vmem>>
    %dma_start3A_839 = arith.constant 0 : i32
    %dma_start3A_840 = tpu.memref_slice %arg2[%dma_start3A_839] : memref<1600000xf32, #tpu.memory_space<hbm>> -> memref<1600000xf32, #tpu.memory_space<hbm>>
    tpu.enqueue_indirect_dma source(%dma_start3A_840 : memref<1600000xf32, #tpu.memory_space<hbm>>) target(%dma_start3A_836 : memref<128xf32, #tpu.memory_space<vmem>>) offsets(%dma_start3A_838 : memref<128xi32, #tpu.memory_space<vmem>>) semaphore(%arg8 : memref<!tpu.dma_semaphore, #tpu.memory_space<semaphore_mem>>)
    %dma_wait3A = arith.constant 0 : i32
    %dma_wait3A_841 = arith.constant 0 : i32
    %dma_wait3A_842 = tpu.memref_slice %arg7[%dma_wait3A, %dma_wait3A_841] : memref<8x128xf32, #tpu.memory_space<vmem>> -> memref<1x128xf32, #tpu.memory_space<vmem>>
    %dma_wait3A_843 = tpu.memref_squeeze %dma_wait3A_842 : memref<1x128xf32, #tpu.memory_space<vmem>> -> memref<128xf32, #tpu.memory_space<vmem>>
    %dma_wait3A_844 = arith.constant 0 : i32
    %dma_wait3A_845 = tpu.memref_slice %arg6[%dma_wait3A_844] : memref<1024xi32, #tpu.memory_space<vmem>> -> memref<128xi32, #tpu.memory_space<vmem>>
    %dma_wait3A_846 = arith.constant 0 : i32
    %dma_wait3A_847 = tpu.memref_slice %arg2[%dma_wait3A_846] : memref<1600000xf32, #tpu.memory_space<hbm>> -> memref<1600000xf32, #tpu.memory_space<hbm>>
    tpu.wait_indirect_dma semaphore(%arg8 : memref<!tpu.dma_semaphore, #tpu.memory_space<semaphore_mem>>) src(%dma_wait3A_847 : memref<1600000xf32, #tpu.memory_space<hbm>>) dst(%dma_wait3A_843 : memref<128xf32, #tpu.memory_space<vmem>>)
    %dma_wait3A_848 = arith.constant 1 : i32
    %dma_wait3A_849 = arith.constant 0 : i32
    %dma_wait3A_850 = tpu.memref_slice %arg7[%dma_wait3A_848, %dma_wait3A_849] : memref<8x128xf32, #tpu.memory_space<vmem>> -> memref<1x128xf32, #tpu.memory_space<vmem>>
    %dma_wait3A_851 = tpu.memref_squeeze %dma_wait3A_850 : memref<1x128xf32, #tpu.memory_space<vmem>> -> memref<128xf32, #tpu.memory_space<vmem>>
    %dma_wait3A_852 = arith.constant 128 : i32
    %dma_wait3A_853 = tpu.memref_slice %arg6[%dma_wait3A_852] : memref<1024xi32, #tpu.memory_space<vmem>> -> memref<128xi32, #tpu.memory_space<vmem>>
    %dma_wait3A_854 = arith.constant 0 : i32
    %dma_wait3A_855 = tpu.memref_slice %arg2[%dma_wait3A_854] : memref<1600000xf32, #tpu.memory_space<hbm>> -> memref<1600000xf32, #tpu.memory_space<hbm>>
    tpu.wait_indirect_dma semaphore(%arg8 : memref<!tpu.dma_semaphore, #tpu.memory_space<semaphore_mem>>) src(%dma_wait3A_855 : memref<1600000xf32, #tpu.memory_space<hbm>>) dst(%dma_wait3A_851 : memref<128xf32, #tpu.memory_space<vmem>>)
    %dma_wait3A_856 = arith.constant 2 : i32
    %dma_wait3A_857 = arith.constant 0 : i32
    %dma_wait3A_858 = tpu.memref_slice %arg7[%dma_wait3A_856, %dma_wait3A_857] : memref<8x128xf32, #tpu.memory_space<vmem>> -> memref<1x128xf32, #tpu.memory_space<vmem>>
    %dma_wait3A_859 = tpu.memref_squeeze %dma_wait3A_858 : memref<1x128xf32, #tpu.memory_space<vmem>> -> memref<128xf32, #tpu.memory_space<vmem>>
    %dma_wait3A_860 = arith.constant 256 : i32
    %dma_wait3A_861 = tpu.memref_slice %arg6[%dma_wait3A_860] : memref<1024xi32, #tpu.memory_space<vmem>> -> memref<128xi32, #tpu.memory_space<vmem>>
    %dma_wait3A_862 = arith.constant 0 : i32
    %dma_wait3A_863 = tpu.memref_slice %arg2[%dma_wait3A_862] : memref<1600000xf32, #tpu.memory_space<hbm>> -> memref<1600000xf32, #tpu.memory_space<hbm>>
    tpu.wait_indirect_dma semaphore(%arg8 : memref<!tpu.dma_semaphore, #tpu.memory_space<semaphore_mem>>) src(%dma_wait3A_863 : memref<1600000xf32, #tpu.memory_space<hbm>>) dst(%dma_wait3A_859 : memref<128xf32, #tpu.memory_space<vmem>>)
    %dma_wait3A_864 = arith.constant 3 : i32
    %dma_wait3A_865 = arith.constant 0 : i32
    %dma_wait3A_866 = tpu.memref_slice %arg7[%dma_wait3A_864, %dma_wait3A_865] : memref<8x128xf32, #tpu.memory_space<vmem>> -> memref<1x128xf32, #tpu.memory_space<vmem>>
    %dma_wait3A_867 = tpu.memref_squeeze %dma_wait3A_866 : memref<1x128xf32, #tpu.memory_space<vmem>> -> memref<128xf32, #tpu.memory_space<vmem>>
    %dma_wait3A_868 = arith.constant 384 : i32
    %dma_wait3A_869 = tpu.memref_slice %arg6[%dma_wait3A_868] : memref<1024xi32, #tpu.memory_space<vmem>> -> memref<128xi32, #tpu.memory_space<vmem>>
    %dma_wait3A_870 = arith.constant 0 : i32
    %dma_wait3A_871 = tpu.memref_slice %arg2[%dma_wait3A_870] : memref<1600000xf32, #tpu.memory_space<hbm>> -> memref<1600000xf32, #tpu.memory_space<hbm>>
    tpu.wait_indirect_dma semaphore(%arg8 : memref<!tpu.dma_semaphore, #tpu.memory_space<semaphore_mem>>) src(%dma_wait3A_871 : memref<1600000xf32, #tpu.memory_space<hbm>>) dst(%dma_wait3A_867 : memref<128xf32, #tpu.memory_space<vmem>>)
    %dma_wait3A_872 = arith.constant 4 : i32
    %dma_wait3A_873 = arith.constant 0 : i32
    %dma_wait3A_874 = tpu.memref_slice %arg7[%dma_wait3A_872, %dma_wait3A_873] : memref<8x128xf32, #tpu.memory_space<vmem>> -> memref<1x128xf32, #tpu.memory_space<vmem>>
    %dma_wait3A_875 = tpu.memref_squeeze %dma_wait3A_874 : memref<1x128xf32, #tpu.memory_space<vmem>> -> memref<128xf32, #tpu.memory_space<vmem>>
    %dma_wait3A_876 = arith.constant 512 : i32
    %dma_wait3A_877 = tpu.memref_slice %arg6[%dma_wait3A_876] : memref<1024xi32, #tpu.memory_space<vmem>> -> memref<128xi32, #tpu.memory_space<vmem>>
    %dma_wait3A_878 = arith.constant 0 : i32
    %dma_wait3A_879 = tpu.memref_slice %arg2[%dma_wait3A_878] : memref<1600000xf32, #tpu.memory_space<hbm>> -> memref<1600000xf32, #tpu.memory_space<hbm>>
    tpu.wait_indirect_dma semaphore(%arg8 : memref<!tpu.dma_semaphore, #tpu.memory_space<semaphore_mem>>) src(%dma_wait3A_879 : memref<1600000xf32, #tpu.memory_space<hbm>>) dst(%dma_wait3A_875 : memref<128xf32, #tpu.memory_space<vmem>>)
    %dma_wait3A_880 = arith.constant 5 : i32
    %dma_wait3A_881 = arith.constant 0 : i32
    %dma_wait3A_882 = tpu.memref_slice %arg7[%dma_wait3A_880, %dma_wait3A_881] : memref<8x128xf32, #tpu.memory_space<vmem>> -> memref<1x128xf32, #tpu.memory_space<vmem>>
    %dma_wait3A_883 = tpu.memref_squeeze %dma_wait3A_882 : memref<1x128xf32, #tpu.memory_space<vmem>> -> memref<128xf32, #tpu.memory_space<vmem>>
    %dma_wait3A_884 = arith.constant 640 : i32
    %dma_wait3A_885 = tpu.memref_slice %arg6[%dma_wait3A_884] : memref<1024xi32, #tpu.memory_space<vmem>> -> memref<128xi32, #tpu.memory_space<vmem>>
    %dma_wait3A_886 = arith.constant 0 : i32
    %dma_wait3A_887 = tpu.memref_slice %arg2[%dma_wait3A_886] : memref<1600000xf32, #tpu.memory_space<hbm>> -> memref<1600000xf32, #tpu.memory_space<hbm>>
    tpu.wait_indirect_dma semaphore(%arg8 : memref<!tpu.dma_semaphore, #tpu.memory_space<semaphore_mem>>) src(%dma_wait3A_887 : memref<1600000xf32, #tpu.memory_space<hbm>>) dst(%dma_wait3A_883 : memref<128xf32, #tpu.memory_space<vmem>>)
    %dma_wait3A_888 = arith.constant 6 : i32
    %dma_wait3A_889 = arith.constant 0 : i32
    %dma_wait3A_890 = tpu.memref_slice %arg7[%dma_wait3A_888, %dma_wait3A_889] : memref<8x128xf32, #tpu.memory_space<vmem>> -> memref<1x128xf32, #tpu.memory_space<vmem>>
    %dma_wait3A_891 = tpu.memref_squeeze %dma_wait3A_890 : memref<1x128xf32, #tpu.memory_space<vmem>> -> memref<128xf32, #tpu.memory_space<vmem>>
    %dma_wait3A_892 = arith.constant 768 : i32
    %dma_wait3A_893 = tpu.memref_slice %arg6[%dma_wait3A_892] : memref<1024xi32, #tpu.memory_space<vmem>> -> memref<128xi32, #tpu.memory_space<vmem>>
    %dma_wait3A_894 = arith.constant 0 : i32
    %dma_wait3A_895 = tpu.memref_slice %arg2[%dma_wait3A_894] : memref<1600000xf32, #tpu.memory_space<hbm>> -> memref<1600000xf32, #tpu.memory_space<hbm>>
    tpu.wait_indirect_dma semaphore(%arg8 : memref<!tpu.dma_semaphore, #tpu.memory_space<semaphore_mem>>) src(%dma_wait3A_895 : memref<1600000xf32, #tpu.memory_space<hbm>>) dst(%dma_wait3A_891 : memref<128xf32, #tpu.memory_space<vmem>>)
    %dma_wait3A_896 = arith.constant 7 : i32
    %dma_wait3A_897 = arith.constant 0 : i32
    %dma_wait3A_898 = tpu.memref_slice %arg7[%dma_wait3A_896, %dma_wait3A_897] : memref<8x128xf32, #tpu.memory_space<vmem>> -> memref<1x128xf32, #tpu.memory_space<vmem>>
    %dma_wait3A_899 = tpu.memref_squeeze %dma_wait3A_898 : memref<1x128xf32, #tpu.memory_space<vmem>> -> memref<128xf32, #tpu.memory_space<vmem>>
    %dma_wait3A_900 = arith.constant 896 : i32
    %dma_wait3A_901 = tpu.memref_slice %arg6[%dma_wait3A_900] : memref<1024xi32, #tpu.memory_space<vmem>> -> memref<128xi32, #tpu.memory_space<vmem>>
    %dma_wait3A_902 = arith.constant 0 : i32
    %dma_wait3A_903 = tpu.memref_slice %arg2[%dma_wait3A_902] : memref<1600000xf32, #tpu.memory_space<hbm>> -> memref<1600000xf32, #tpu.memory_space<hbm>>
    tpu.wait_indirect_dma semaphore(%arg8 : memref<!tpu.dma_semaphore, #tpu.memory_space<semaphore_mem>>) src(%dma_wait3A_903 : memref<1600000xf32, #tpu.memory_space<hbm>>) dst(%dma_wait3A_899 : memref<128xf32, #tpu.memory_space<vmem>>)
    "tpu.region"() ({
      %run_scoped3A = tpu.sem_alloc : memref<!tpu.dma_semaphore, #tpu.memory_space<semaphore_mem>>
      %dma_start3A_904 = arith.constant 0 : i32
      %dma_start3A_905 = arith.constant 0 : i32
      %dma_start3A_906 = tpu.memref_slice %arg4[%add3A, %dma_start3A_904, %dma_start3A_905] : memref<32x8x128xf32, #tpu.memory_space<hbm>> -> memref<1x8x128xf32, #tpu.memory_space<hbm>>
      %dma_start3A_907 = tpu.memref_squeeze %dma_start3A_906 : memref<1x8x128xf32, #tpu.memory_space<hbm>> -> memref<8x128xf32, #tpu.memory_space<hbm>>
      %dma_start3A_908 = arith.constant 0 : i32
      %dma_start3A_909 = arith.constant 0 : i32
      %dma_start3A_910 = tpu.memref_slice %arg4[%add3A, %dma_start3A_908, %dma_start3A_909] : memref<32x8x128xf32, #tpu.memory_space<hbm>> -> memref<1x8x128xf32, #tpu.memory_space<hbm>>
      %dma_start3A_911 = tpu.memref_squeeze %dma_start3A_910 : memref<1x8x128xf32, #tpu.memory_space<hbm>> -> memref<8x128xf32, #tpu.memory_space<hbm>>
      tpu.enqueue_dma source(%arg7 : memref<8x128xf32, #tpu.memory_space<vmem>>) target(%dma_start3A_911 : memref<8x128xf32, #tpu.memory_space<hbm>>) target_semaphore(%run_scoped3A : memref<!tpu.dma_semaphore, #tpu.memory_space<semaphore_mem>>)
      %dma_wait3A_912 = arith.constant 0 : i32
      %dma_wait3A_913 = arith.constant 0 : i32
      %dma_wait3A_914 = tpu.memref_slice %arg4[%add3A, %dma_wait3A_912, %dma_wait3A_913] : memref<32x8x128xf32, #tpu.memory_space<hbm>> -> memref<1x8x128xf32, #tpu.memory_space<hbm>>
      %dma_wait3A_915 = tpu.memref_squeeze %dma_wait3A_914 : memref<1x8x128xf32, #tpu.memory_space<hbm>> -> memref<8x128xf32, #tpu.memory_space<hbm>>
      %dma_wait3A_916 = arith.constant 0 : i32
      %dma_wait3A_917 = arith.constant 0 : i32
      %dma_wait3A_918 = tpu.memref_slice %arg4[%add3A, %dma_wait3A_916, %dma_wait3A_917] : memref<32x8x128xf32, #tpu.memory_space<hbm>> -> memref<1x8x128xf32, #tpu.memory_space<hbm>>
      %dma_wait3A_919 = tpu.memref_squeeze %dma_wait3A_918 : memref<1x8x128xf32, #tpu.memory_space<hbm>> -> memref<8x128xf32, #tpu.memory_space<hbm>>
      tpu.wait_dma2 semaphore(%run_scoped3A : memref<!tpu.dma_semaphore, #tpu.memory_space<semaphore_mem>>) src(%arg7 : memref<8x128xf32, #tpu.memory_space<vmem>>) dst(%dma_wait3A_919 : memref<8x128xf32, #tpu.memory_space<hbm>>)
      tpu.yield
    }) : () -> ()
    return
  }
}

module attributes {stable_mosaic.version = 14 : i64} {
  func.func @_mlp_body(%arg0: i32, %arg1: memref<1024x32xf32, #tpu.memory_space<vmem>>, %arg2: memref<32x64xf32, #tpu.memory_space<vmem>>, %arg3: memref<1x64xf32, #tpu.memory_space<vmem>>, %arg4: memref<64x64xf32, #tpu.memory_space<vmem>>, %arg5: memref<1x64xf32, #tpu.memory_space<vmem>>, %arg6: memref<64x4096xf32, #tpu.memory_space<vmem>>, %arg7: memref<1x4096xf32, #tpu.memory_space<vmem>>, %arg8: memref<4096x1024xf32, #tpu.memory_space<vmem>>, %arg9: memref<64x1024xbf16, #tpu.memory_space<vmem>>) attributes {dimension_semantics = [#tpu.dimension_semantics<arbitrary>], iteration_bounds = array<i64: 25>, scalar_prefetch = 0 : i64, scratch_operands = 1 : i64, tpu.core_type = #tpu.core_type<tc>, window_params = [{pipeline_mode = #tpu.pipeline_mode<synchronous>, transform_indices = @transform_0, window_bounds = array<i64: 1024, 32>}, {pipeline_mode = #tpu.pipeline_mode<synchronous>, transform_indices = @transform_1, window_bounds = array<i64: 32, 64>}, {pipeline_mode = #tpu.pipeline_mode<synchronous>, transform_indices = @transform_2, window_bounds = array<i64: 1, 64>}, {pipeline_mode = #tpu.pipeline_mode<synchronous>, transform_indices = @transform_3, window_bounds = array<i64: 64, 64>}, {pipeline_mode = #tpu.pipeline_mode<synchronous>, transform_indices = @transform_4, window_bounds = array<i64: 1, 64>}, {transform_indices = @transform_5, window_bounds = array<i64: 64, 4096>}, {transform_indices = @transform_6, window_bounds = array<i64: 1, 4096>}, {transform_indices = @transform_7, window_bounds = array<i64: 4096, 1024>}]} {
    %eq3A = arith.constant 0 : i32
    %eq3A_0 = arith.cmpi eq, %arg0, %eq3A : i32
    %convert_element_type3A = arith.extui %eq3A_0 : i1 to i32
    %cond3A = arith.constant 0 : i32
    %cond3A_1 = arith.cmpi ne, %convert_element_type3A, %cond3A : i32
    scf.if %cond3A_1 {
      %get3A_17 = arith.constant 0 : index
      %get3A_18 = arith.constant 0 : index
      %get3A_19 = vector.load %arg1[%get3A_17, %get3A_18] : memref<1024x32xf32, #tpu.memory_space<vmem>>, vector<1024x32xf32>
      %get3A_20 = arith.constant 0 : index
      %get3A_21 = arith.constant 0 : index
      %get3A_22 = vector.load %arg2[%get3A_20, %get3A_21] : memref<32x64xf32, #tpu.memory_space<vmem>>, vector<32x64xf32>
      %dot_general3A_23 = arith.constant dense<0.000000e+00> : vector<1024x64xf32>
      %dot_general3A_24 = tpu.matmul %get3A_19, %get3A_22, %dot_general3A_23 {dimension_numbers = #tpu.dot_dimension_numbers<[1], [0], [0], [1], [0, 0, 1, 1], [], []>, transpose_lhs_hint = false} : vector<1024x32xf32>, vector<32x64xf32>, vector<1024x64xf32> -> vector<1024x64xf32>
      %get3A_25 = arith.constant 0 : index
      %get3A_26 = arith.constant 0 : index
      %get3A_27 = vector.load %arg3[%get3A_25, %get3A_26] : memref<1x64xf32, #tpu.memory_space<vmem>>, vector<1x64xf32>
      %add3A_28 = vector.broadcast %get3A_27 : vector<1x64xf32> to vector<1024x64xf32>
      %add3A_29 = arith.addf %dot_general3A_24, %add3A_28 : vector<1024x64xf32>
      %mul3A = arith.constant 5.000000e-01 : f32
      %mul3A_30 = vector.broadcast %mul3A : f32 to vector<1024x64xf32>
      %mul3A_31 = arith.mulf %mul3A_30, %add3A_29 : vector<1024x64xf32>
      %mul3A_32 = arith.constant 0.707106769 : f32
      %mul3A_33 = vector.broadcast %mul3A_32 : f32 to vector<1024x64xf32>
      %mul3A_34 = arith.mulf %add3A_29, %mul3A_33 : vector<1024x64xf32>
      %erf3A = math.erf %mul3A_34 : vector<1024x64xf32>
      %add3A_35 = arith.constant 1.000000e+00 : f32
      %add3A_36 = vector.broadcast %add3A_35 : f32 to vector<1024x64xf32>
      %add3A_37 = arith.addf %add3A_36, %erf3A : vector<1024x64xf32>
      %mul3A_38 = arith.mulf %mul3A_31, %add3A_37 : vector<1024x64xf32>
      %get3A_39 = arith.constant 0 : index
      %get3A_40 = arith.constant 0 : index
      %get3A_41 = vector.load %arg4[%get3A_39, %get3A_40] : memref<64x64xf32, #tpu.memory_space<vmem>>, vector<64x64xf32>
      %dot_general3A_42 = arith.constant dense<0.000000e+00> : vector<1024x64xf32>
      %dot_general3A_43 = tpu.matmul %mul3A_38, %get3A_41, %dot_general3A_42 {dimension_numbers = #tpu.dot_dimension_numbers<[1], [0], [0], [1], [0, 0, 1, 1], [], []>, transpose_lhs_hint = false} : vector<1024x64xf32>, vector<64x64xf32>, vector<1024x64xf32> -> vector<1024x64xf32>
      %get3A_44 = arith.constant 0 : index
      %get3A_45 = arith.constant 0 : index
      %get3A_46 = vector.load %arg5[%get3A_44, %get3A_45] : memref<1x64xf32, #tpu.memory_space<vmem>>, vector<1x64xf32>
      %add3A_47 = vector.broadcast %get3A_46 : vector<1x64xf32> to vector<1024x64xf32>
      %add3A_48 = arith.addf %dot_general3A_43, %add3A_47 : vector<1024x64xf32>
      %mul3A_49 = arith.constant 5.000000e-01 : f32
      %mul3A_50 = vector.broadcast %mul3A_49 : f32 to vector<1024x64xf32>
      %mul3A_51 = arith.mulf %mul3A_50, %add3A_48 : vector<1024x64xf32>
      %mul3A_52 = arith.constant 0.707106769 : f32
      %mul3A_53 = vector.broadcast %mul3A_52 : f32 to vector<1024x64xf32>
      %mul3A_54 = arith.mulf %add3A_48, %mul3A_53 : vector<1024x64xf32>
      %erf3A_55 = math.erf %mul3A_54 : vector<1024x64xf32>
      %add3A_56 = arith.constant 1.000000e+00 : f32
      %add3A_57 = vector.broadcast %add3A_56 : f32 to vector<1024x64xf32>
      %add3A_58 = arith.addf %add3A_57, %erf3A_55 : vector<1024x64xf32>
      %mul3A_59 = arith.mulf %mul3A_51, %add3A_58 : vector<1024x64xf32>
      %transpose3A = tpu.transpose %mul3A_59, [1, 0] : vector<1024x64xf32> -> vector<64x1024xf32>
      %convert_element_type3A_60 = arith.truncf %transpose3A : vector<64x1024xf32> to vector<64x1024xbf16>
      %swap3A_61 = arith.constant 0 : index
      %swap3A_62 = arith.constant 0 : index
      %swap3A_63 = vector.load %arg9[%swap3A_61, %swap3A_62] : memref<64x1024xbf16, #tpu.memory_space<vmem>>, vector<64x1024xbf16>
      tpu.vector_store %arg9[%swap3A_61, %swap3A_62], %convert_element_type3A_60 {strides = array<i32>} : memref<64x1024xbf16, #tpu.memory_space<vmem>>, vector<64x1024xbf16>,
    } else {
    }
    %get3A = arith.constant 0 : index
    %get3A_2 = arith.constant 0 : index
    %get3A_3 = vector.load %arg7[%get3A, %get3A_2] : memref<1x4096xf32, #tpu.memory_space<vmem>>, vector<1x4096xf32>
    %broadcast_in_dim3A = arith.constant 1.000000e+00 : f32
    %broadcast_in_dim3A_4 = vector.broadcast %broadcast_in_dim3A : f32 to vector<1x1024xf32>
    %dot_general3A = arith.constant dense<0.000000e+00> : vector<4096x1024xf32>
    %dot_general3A_5 = tpu.matmul %get3A_3, %broadcast_in_dim3A_4, %dot_general3A {dimension_numbers = #tpu.dot_dimension_numbers<[0], [0], [1], [1], [0, 1, 1, 1], [], []>, transpose_lhs_hint = false} : vector<1x4096xf32>, vector<1x1024xf32>, vector<4096x1024xf32> -> vector<4096x1024xf32>
    %get3A_6 = arith.constant 0 : index
    %get3A_7 = arith.constant 0 : index
    %get3A_8 = vector.load %arg6[%get3A_6, %get3A_7] : memref<64x4096xf32, #tpu.memory_space<vmem>>, vector<64x4096xf32>
    %convert_element_type3A_9 = arith.truncf %get3A_8 : vector<64x4096xf32> to vector<64x4096xbf16>
    %get3A_10 = arith.constant 0 : index
    %get3A_11 = arith.constant 0 : index
    %get3A_12 = vector.load %arg9[%get3A_10, %get3A_11] : memref<64x1024xbf16, #tpu.memory_space<vmem>>, vector<64x1024xbf16>
    %dot_general3A_13 = arith.constant dense<0.000000e+00> : vector<4096x1024xf32>
    %dot_general3A_14 = tpu.matmul %convert_element_type3A_9, %get3A_12, %dot_general3A_13 {dimension_numbers = #tpu.dot_dimension_numbers<[0], [0], [1], [1], [0, 1, 1, 1], [], []>, transpose_lhs_hint = false} : vector<64x4096xbf16>, vector<64x1024xbf16>, vector<4096x1024xf32> -> vector<4096x1024xf32>
    %add3A = arith.addf %dot_general3A_14, %dot_general3A_5 : vector<4096x1024xf32>
    %swap3A = arith.constant 0 : index
    %swap3A_15 = arith.constant 0 : index
    %swap3A_16 = vector.load %arg8[%swap3A, %swap3A_15] : memref<4096x1024xf32, #tpu.memory_space<vmem>>, vector<4096x1024xf32>
    tpu.vector_store %arg8[%swap3A, %swap3A_15], %add3A {strides = array<i32>} : memref<4096x1024xf32, #tpu.memory_space<vmem>>, vector<4096x1024xf32>,
    return
  }
  func.func @transform_0(%arg0: i32) -> (i32, i32) {
    %c0_i32 = arith.constant 0 : i32
    %c0_i32_0 = arith.constant 0 : i32
    %c0_i32_1 = arith.constant 0 : i32
    return %c0_i32, %c0_i32_0 : i32, i32
  }
  func.func @transform_1(%arg0: i32) -> (i32, i32) {
    %c0_i32 = arith.constant 0 : i32
    %c0_i32_0 = arith.constant 0 : i32
    %c0_i32_1 = arith.constant 0 : i32
    return %c0_i32, %c0_i32_0 : i32, i32
  }
  func.func @transform_2(%arg0: i32) -> (i32, i32) {
    %c0_i32 = arith.constant 0 : i32
    %c0_i32_0 = arith.constant 0 : i32
    %c0_i32_1 = arith.constant 0 : i32
    return %c0_i32, %c0_i32_0 : i32, i32
  }
  func.func @transform_3(%arg0: i32) -> (i32, i32) {
    %c0_i32 = arith.constant 0 : i32
    %c0_i32_0 = arith.constant 0 : i32
    %c0_i32_1 = arith.constant 0 : i32
    return %c0_i32, %c0_i32_0 : i32, i32
  }
  func.func @transform_4(%arg0: i32) -> (i32, i32) {
    %c0_i32 = arith.constant 0 : i32
    %c0_i32_0 = arith.constant 0 : i32
    %c0_i32_1 = arith.constant 0 : i32
    return %c0_i32, %c0_i32_0 : i32, i32
  }
  func.func @transform_5(%arg0: i32) -> (i32, i32) {
    %c0_i32 = arith.constant 0 : i32
    %c0_i32_0 = arith.constant 0 : i32
    return %c0_i32, %arg0 : i32, i32
  }
  func.func @transform_6(%arg0: i32) -> (i32, i32) {
    %c0_i32 = arith.constant 0 : i32
    %c0_i32_0 = arith.constant 0 : i32
    return %c0_i32, %arg0 : i32, i32
  }
  func.func @transform_7(%arg0: i32) -> (i32, i32) {
    %c0_i32 = arith.constant 0 : i32
    %c0_i32_0 = arith.constant 0 : i32
    return %arg0, %c0_i32 : i32, i32
  }
}

</mosaic_0001>

<sc_bundles>
// kernel: kernel.4.cloned.1.call-start
scs
__scs_entry_jumppad:
0x0: {  	(pc) =	sbr.rel $0x88, $3  }
0x1: {  	(tag) =	ssettag $0x0;
	lr =	simm.s32 $0x1  }
0x2: {  	[smem:$0x3F99] =	sst lr;
	_ =	strace $0xD0000000  }
0x3: {  	_ = 	snop  }
0x4: {  	_ = 	snop  }
0x5: {  	_ = 	snop  }
0x6: {  	_ = 	snop  }
0x7: {  	_ = 	snop  }
__scs_overlays_trampoline_lowered:
0x8: {  	[smem:$0x3FA8] =	sst s0  }
0x9: {  	[smem:$0x3FA9] =	sst s1  }
0xa: {  	[smem:$0x3FAA] =	sst s2  }
0xb: {  	[smem:$0x3FAB] =	sst s3  }
0xc: {  	[smem:$0x3FAC] =	sst s4  }
0xd: {  	[smem:$0x3FAD] =	sst s5  }
0xe: {  	[smem:$0x3FAE] =	sst s6  }
0xf: {  	[smem:$0x3FAF] =	sst s7  }
0x10: {  	[smem:$0x3FB0] =	sst s8  }
0x11: {  	[smem:$0x3FB1] =	sst s9;
	s0 =	simm.s32 @!p0 $0x0  }
0x12: {  	s1 =	sld [smem:$0x3F97];
	s0 =	simm.s32 @p0 $0x1  }
0x13: {  	[smem:$0x3FB2] =	sst s0;
	s0 =	simm.s32 @!p1 $0x0  }
0x14: {  	s2 =	sld [smem:$0x3F96];
	s0 =	simm.s32 @p1 $0x1  }
0x15: {  	[smem:$0x3FB3] =	sst s0;
	s0 =	simm.s32 @!p2 $0x0  }
0x16: {  	s3 =	sld [smem:$0x3FDB];
	s0 =	simm.s32 @p2 $0x1  }
0x17: {  	s4 =	simm.s32 $0x1BF5;
	[smem:$0x3FB5] =	sst s0  }
0x18: {  	s0 =	sld [smem:$0x3F98];
	_ =	swait.ge [sflag:s4], $0x0  }
0x19: {  	s7 =	sld [smem:$0x3F99]  }
0x1a: {  	s8 =	sadd.s32 $0xFFFFE003, lr  }
0x1b: {  	s9 =	sadd.s32 $0xFFFFFEF7, lr;
	s5 =	simm.s32 $0xFFFFFFFF;
	p2 =	slt.u32 s8, $0xFFFFF086  }
0x1c: {  	p1 =	slt.u32 s9, $0xF7A;
	s5 =	simm.s32 @!p2 $0x0  }
0x1d: {  	s5 =	simm.s32 @p1 $0x1;
	p0 =	seq.s32 s7, s2  }
0x1e: {  	s7 =	smul.u32 @!p0 $0xF7A, s2;
	p2 =	seq.s32 @!p0 s5, $0x0  }
0x1f: {  	s9 =	smul.u32 $0xF7A, s1;
	s8 =	simm.s32 @!p0 $0x1BF5;
	p2 =	por !p2, p0  }
0x20: {  	[sflag:s8] =	ssyncset.s32 @!p0 $0xFFFFF086;
	s6 =	sadd.s32 @!p0 s3, s7;
	s7 =	simm.s32 @!p0 $0x108  }
0x21: {  	s3 =	sadd.s32 s3, s9;
	s6 =	sadd.s32 @!p0 $0x88, s6;
	s7 =	simm.s32 @p2 $0x1082  }
0x22: {  	[simem:s7], [sflag:s8] =	dma.local @!p0 [hbm:s6], $0xF7A  }
0x23: {  	s9 =	sor.u32 $0xD0000000, s2;
	s6 =	simm.s32 $0x108;
	_ =	swait.ge @!p0 [sflag:s8], $0x0  }
0x24: {  	s3 =	sadd.s32 $0x88, s3;
	s6 =	simm.s32 @!p1 $0x1082;
	[sflag:s4] =	ssyncset.s32 $0xFFFFF086  }
0x25: {  	[simem:s6], [sflag:s4] =	dma.local [hbm:s3], $0xF7A  }
0x26: {  	[smem:$0x3F99] =	sst s1;
	(tag) =	ssettag s2;
	_ =	strace s9  }
0x27: {  	s1 =	sld [smem:$0x3FA9]  }
0x28: {  	s2 =	sld [smem:$0x3FAA]  }
0x29: {  	s4 =	sld [smem:$0x3FAC]  }
0x2a: {  	p0 =	seq.s32 s5, $0x0;
	s5 =	sld [smem:$0x3FAD]  }
0x2b: {  	s6 =	sld [smem:$0x3FAE]  }
0x2c: {  	s7 =	sld [smem:$0x3FAF]  }
0x2d: {  	s3 =	simm.s32 $0x108;
	s8 =	sld [smem:$0x3FB0]  }
0x2e: {  	s3 =	simm.s32 @!p0 $0x1082;
	s9 =	sld [smem:$0x3FB1]  }
0x2f: {  	lr =	sadd.s32 s0, s3;
	s0 =	sld [smem:$0x3FA8]  }
0x30: {  	s3 =	sld [smem:$0x3FAB]  }
0x31: {  	[smem:$0x3FB4] =	sst s10  }
0x32: {  	s10 =	sld [smem:$0x3FB2];
	_ =	sdelay $0x3  }
0x33: {  	p0 =	seq.s32 s10, $0x1;
	s10 =	sld [smem:$0x3FB4];
	_ =	sdelay $0x3  }
0x34: {  	[smem:$0x3FB4] =	sst s10  }
0x35: {  	s10 =	sld [smem:$0x3FB3];
	_ =	sdelay $0x3  }
0x36: {  	p1 =	seq.s32 s10, $0x1;
	s10 =	sld [smem:$0x3FB4];
	_ =	sdelay $0x3  }
0x37: {  	[smem:$0x3FB4] =	sst s10  }
0x38: {  	s10 =	sld [smem:$0x3FB5]  }
0x39: {  	_ = 	snop;
	(pc) =	sbr.ind lr, $3  }
0x3a: {  	_ = 	snop  }
0x3b: {  	_ = 	snop  }
0x3c: {  	p2 =	seq.s32 s10, $0x1;
	s10 =	sld [smem:$0x3FB4]  }
0x3d: {  	_ =	shalt  }
0x3e: {  	_ =	shalt  }
0x3f: {  	_ =	shalt  }
0x40: {  	_ =	shalt  }
0x41: {  	_ =	shalt  }
0x42: {  	_ =	shalt  }
0x43: {  	_ =	shalt  }
0x44: {  	_ =	shalt  }
0x45: {  	_ =	shalt  }
0x46: {  	_ =	shalt  }
0x47: {  	_ =	shalt  }
0x48: {  	_ =	shalt  }
0x49: {  	_ =	shalt  }
0x4a: {  	_ =	shalt  }
0x4b: {  	_ =	shalt  }
0x4c: {  	_ =	shalt  }
0x4d: {  	_ =	shalt  }
0x4e: {  	_ =	shalt  }
0x4f: {  	_ =	shalt  }
0x50: {  	_ =	shalt  }
0x51: {  	_ =	shalt  }
0x52: {  	_ =	shalt  }
0x53: {  	_ =	shalt  }
0x54: {  	_ =	shalt  }
0x55: {  	_ =	shalt  }
0x56: {  	_ =	shalt  }
0x57: {  	_ =	shalt  }
0x58: {  	_ =	shalt  }
0x59: {  	_ =	shalt  }
0x5a: {  	_ =	shalt  }
0x5b: {  	_ =	shalt  }
0x5c: {  	_ =	shalt  }
0x5d: {  	_ =	shalt  }
0x5e: {  	_ =	shalt  }
0x5f: {  	_ =	shalt  }
0x60: {  	_ =	shalt  }
0x61: {  	_ =	shalt  }
0x62: {  	_ =	shalt  }
0x63: {  	_ =	shalt  }
0x64: {  	_ =	shalt  }
0x65: {  	_ =	shalt  }
0x66: {  	_ =	shalt  }
0x67: {  	_ =	shalt  }
0x68: {  	_ =	shalt  }
0x69: {  	_ =	shalt  }
0x6a: {  	_ =	shalt  }
0x6b: {  	_ =	shalt  }
0x6c: {  	_ =	shalt  }
0x6d: {  	_ =	shalt  }
0x6e: {  	_ =	shalt  }
0x6f: {  	_ =	shalt  }
0x70: {  	_ =	shalt  }
0x71: {  	_ =	shalt  }
0x72: {  	_ =	shalt  }
0x73: {  	_ =	shalt  }
0x74: {  	_ =	shalt  }
0x75: {  	_ =	shalt  }
0x76: {  	_ =	shalt  }
0x77: {  	_ =	shalt  }
0x78: {  	_ =	shalt  }
0x79: {  	_ =	shalt  }
0x7a: {  	_ =	shalt  }
0x7b: {  	_ =	shalt  }
0x7c: {  	_ =	shalt  }
0x7d: {  	_ =	shalt  }
0x7e: {  	_ =	shalt  }
0x7f: {  	_ =	shalt  }
0x80: {  	_ =	shalt  }
0x81: {  	_ =	shalt  }
0x82: {  	_ =	shalt  }
0x83: {  	_ =	shalt  }
0x84: {  	_ =	shalt  }
0x85: {  	_ =	shalt  }
0x86: {  	_ =	shalt  }
0x87: {  	_ =	shalt  }
.Lfunc_end0:
.L_simem_size_0:
called_computation_lowered:
.L_overlay_start_0:
0x88: {  	s2 =	sld [smem:$0x3FD9]  }
0x89: {  	s3 =	sld [smem:$0x3FFE];
	_ =	sdelay $0x1  }
0x8a: {  	s1 =	srdreg.scid  }
0x8b: {  	s0 =	sand.u32 $0x1, s1  }
0x8c: {  	s17 =	sshll.u32 s0, $0xA;
	s2 =	sadd.s32 s3, s2  }
0x8d: {  	s2 =	sadd.s32 s2, s17  }
0x8e: {  	[smem:$0x3FC0] =	sst s2  }
0x8f: {  	_ = 	snop  }
0x90: {  	s2 =	sld [smem:$0x3FD0];
	(tm) =	ssettm $0x1  }
0x91: {  	s18 =	sld [smem:$0x3FFB];
	_ =	sdelay $0x3  }
0x92: {  	_ =	strace s18  }
0x93: {  	s3 =	sld [smem:$0x3FFC];
	_ =	sdelay $0x3  }
0x94: {  	_ =	strace s3  }
0x95: {  	s3 =	sld [smem:$0x3FFD];
	_ =	sdelay $0x3  }
0x96: {  	_ =	strace s3  }
0x97: {  	_ =	strace $0x8FFFFFFF  }
0x98: {  	s19 =	sld [smem:$0x3FDB];
	_ =	sdelay $0x1  }
0x99: {  	s4 =	simm.s32 $_scs_section_size  }
0x9a: {  	s5 =	simm.s32 $_size__tile_overlayer_lowered;
	s6 =	simm.s32 $_tile_overlayer_lowered  }
0x9b: {  	s22 =	simm.s32 $0x1BFF;
	s21 =	sshll.u32 s6, $0x1;
	s3 =	sadd.s32 s4, s19  }
0x9c: {  	s7 =	simm.s32 $0x0;
	s20 =	sshll.u32 s5, $0x1;
	s5 =	sadd.s32 s21, s3  }
0x9d: {  	[timem:s7], [sflag:s22] =	dma.local [hbm:s5], s20  }
0x9e: {  	_ =	swait.ge [sflag:s22], s20  }
0x9f: {  	s4 =	ssub.s32 $0x0, s20;
	[sflag:s22] =	ssyncset.done $0x0  }
0xa0: {  	[sflag:s22] =	ssyncadd.s32 s4;
	_ =	sdelay $0x1  }
0xa1: {  	s23 =	simm.s32 $0x1B8B  }
0xa2: {  	_ =	swait.ge [sflag:s23], $0x1  }
0xa3: {  	[sflag:s23] =	ssyncset.done $0x0  }
0xa4: {  	s25 =	simm.s32 $0x1B8E;
	s24 =	sld [smem:$0x3FFE];
	[sflag:s23] =	ssyncadd.s32 $0xFFFFFFFF  }
0xa5: {  	s26 =	simm.s32 $execute0_lowered;
	[smem:$0x3FD2] =	sst s25  }
0xa6: {  	s5 =	sshll.u32 s26, $0x1;
	_ =	strace $0x80000046;
	[dreg:$0x1] =	wrdreg $0xFFFFFFFF  }
0xa7: {  	s28 =	simm.s32 $_size_execute0_lowered;
	s3 =	sadd.s32 s3, s5;
	[dreg:$0x0] =	wrdreg $0x0  }
0xa8: {  	s5 =	sshll.u32 s28, $0x1;
	[dreg:$0x2] =	wrdreg s3  }
0xa9: {  	[dreg:$0x3] =	wrdreg s5  }
0xaa: {  	[dreg:$0x4] =	wrdreg $0xC0  }
0xab: {  	_ =	task [dreg:s7], $0x5FFFF  }
0xac: {  	[dreg:$0x1] =	wrdreg $0xFFFFFFFF  }
0xad: {  	[dreg:$0x0] =	wrdreg $0x60  }
0xae: {  	[dreg:$0x2] =	wrdreg s2  }
0xaf: {  	[dreg:$0x3] =	wrdreg s24  }
0xb0: {  	[dreg:$0x4] =	wrdreg $0x9  }
0xb1: {  	_ =	task.clear_ibuf [dreg:s7], $0x5FFFF;
	_ =	strace $0x90000046  }
0xb2: {  	s29 =	simm.s32 $0x9;
	_ =	strace $0x80000048  }
0xb3: {  	_ =	swait.ge [sflag:s29], $0x1  }
0xb4: {  	[sflag:s29] =	ssyncadd.s32 $0xFFFFFFFF  }
0xb5: {  	_ =	strace $0x90000048  }
0xb6: {  	_ =	sfence  }
0xb7: {  	s30 =	sld [smem:$0x0];
	_ =	sdelay $0x2  }
0xb8: {  	s31 =	sshll.u32 s1, $0xD;
	s1 =	sshrl.u32 s1, $0x2  }
0xb9: {  	s3 =	sand.u32 $0x4000, s31;
	s1 =	sadd.s32 s1, s30  }
0xba: {  	s0 =	sor.u32 s3, s0;
	s1 =	sshll.u32 s1, $0x11  }
0xbb: {  	s0 =	sor.u32 s1, s0  }
0xbc: {  	s0 =	sadd.s32 $0x8F2B, s0  }
0xbd: {  	[sflag:s0] =	ssyncadd.remote.s32 $0x1  }
0xbe: {  	_ =	sfence.sel $0xFFFF  }
0xbf: {  	[dreg:$0x0] =	wrdreg $0xFFFFFFFF;
	(pc) =	sbr.abs _section_cstart, $3  }
0xc0: {  	[dreg:$0x1] =	wrdreg $0xFFFFFFFF  }
0xc1: {  	_ =	task.clear_ibuf [dreg:s7], $0x2FFFF;
	_ =	strace $0x9FFFFFFF  }
0xc2: {  	(tm) =	ssettm $0x7FFFFFFF  }
0xc3: {  	_ =	shalt  }
tec
execute0_lowered:
.L_overlay_start_1:
0x0: {  	(tag) =	ssettag $0x1  }
0x1: {  	s1 =	srdreg.scid;
	s0 =	stileid.u32  }
0x2: {  	s2 =	rddreg [dreg:$0x0];
	s25 =	sand.u32 $0x1, s1;
	s31 =	sshll.u32 s0, $0x1  }
0x3: {  	s24 =	rddreg [dreg:$0x1];
	s26 =	sor.u32 s25, s31  }
0x4: {  	s3 =	simm.s32 $0x0;
	s1 =	rddreg [dreg:$0x2];
	s4 =	sshll.u32 s26, $0x3  }
0x5: {  	[smem:$0x7FF] =	sst s3;
	s4 =	sadd.s32 s4, s24  }
0x6: {  	_ =	strace $0x80000047;
	s5 =	sadd.s32 $0x600, s4;
	s4 =	simm.s32 $0x2  }
0x7: {  	[tilespmem:s3], [sflag:$0x2] =	stream.linear.gather [hbm4b:s5+s3], $0x40, $0x38;
	[tilespmem:$0x840] =	vst v63  }
0x8: {  	_ =	swait.ge [sflag:s4], $0x40  }
0x9: {  	v0 =	vlaneseq.u32;
	[sflag:s4] =	ssyncset.done $0x0  }
0xa: {  	v0 =	vmul.u32 $0x10, v0;
	[sflag:s4] =	ssyncadd.s32 $0xFFFFFFC0  }
0xb: {  	v16 =	vld [tilespmem:$0x0]  }
0xc: {  	v1 =	vor.u32 $0x1, v0  }
0xd: {  	v2 =	vor.u32 $0x2, v0;
	[tilespmem:$0x1FFD0] =	vst v1  }
0xe: {  	v10 =	vor.u32 $0x3, v0;
	[tilespmem:$0x1FFE0] =	vst v2  }
0xf: {  	s6 =	simm.s32 $0x40;
	v11 =	vor.u32 $0x4, v0;
	[tilespmem:$0x1FFF0] =	vst v10  }
0x10: {  	v12 =	vor.u32 $0x5, v0;
	[tilespmem:v0+s6+$0x0] =	vst.idx.msk $0xffff, v16;
	v7 =	vadd.s32 $0x186A0, v16  }
0x11: {  	v13 =	vor.u32 $0x6, v0;
	v8 =	vadd.s32 $0x30D40, v16;
	[tilespmem:v1+s6+$0x0] =	vst.idx.msk $0xffff, v7  }
0x12: {  	v9 =	vadd.s32 $0x493E0, v16;
	v1 =	vor.u32 $0x7, v0;
	[tilespmem:v2+s6+$0x0] =	vst.idx.msk $0xffff, v8  }
0x13: {  	v2 =	vor.u32 $0x8, v0;
	[tilespmem:v10+s6+$0x0] =	vst.idx.msk $0xffff, v9;
	v10 =	vadd.s32 $0x61A80, v16  }
0x14: {  	v6 =	vmov v11;
	v8 =	vor.u32 $0x9, v0;
	[tilespmem:v11+s6+$0x0] =	vst.idx.msk $0xffff, v10;
	v11 =	vadd.s32 $0x7A120, v16  }
0x15: {  	v7 =	vmov v12;
	v10 =	vor.u32 $0xA, v0;
	[tilespmem:v12+s6+$0x0] =	vst.idx.msk $0xffff, v11;
	v12 =	vadd.s32 $0x927C0, v16  }
0x16: {  	v3 =	vmov v13;
	v11 =	vor.u32 $0xB, v0;
	[tilespmem:v13+s6+$0x0] =	vst.idx.msk $0xffff, v12;
	v13 =	vadd.s32 $0xAAE60, v16  }
0x17: {  	v14 =	vadd.s32 $0xC3500, v16;
	v12 =	vor.u32 $0xC, v0;
	[tilespmem:v1+s6+$0x0] =	vst.idx.msk $0xffff, v13  }
0x18: {  	v15 =	vadd.s32 $0xDBBA0, v16;
	v13 =	vor.u32 $0xD, v0;
	[tilespmem:v2+s6+$0x0] =	vst.idx.msk $0xffff, v14  }
0x19: {  	v17 =	vadd.s32 $0xF4240, v16;
	v14 =	vor.u32 $0xE, v0;
	[tilespmem:v8+s6+$0x0] =	vst.idx.msk $0xffff, v15  }
0x1a: {  	v15 =	vor.u32 $0xF, v0;
	[tilespmem:v10+s6+$0x0] =	vst.idx.msk $0xffff, v17;
	v17 =	vadd.s32 $0x10C8E0, v16  }
0x1b: {  	[tilespmem:v11+s6+$0x0] =	vst.idx.msk $0xffff, v17;
	v17 =	vadd.s32 $0x124F80, v16  }
0x1c: {  	[tilespmem:v12+s6+$0x0] =	vst.idx.msk $0xffff, v17;
	v17 =	vadd.s32 $0x13D620, v16  }
0x1d: {  	[tilespmem:v13+s6+$0x0] =	vst.idx.msk $0xffff, v17;
	v17 =	vadd.s32 $0x155CC0, v16  }
0x1e: {  	v16 =	vadd.s32 $0x16E360, v16;
	[tilespmem:v14+s6+$0x0] =	vst.idx.msk $0xffff, v17  }
0x1f: {  	[tilespmem:v15+s6+$0x0] =	vst.idx.msk $0xffff, v16  }
0x20: {  	v16 =	vor.u32 $0x100, v0;
	v32 =	vld [tilespmem:$0x10]  }
0x21: {  	v17 =	vor.u32 $0x101, v0  }
0x22: {  	v18 =	vor.u32 $0x102, v0  }
0x23: {  	v19 =	vor.u32 $0x103, v0  }
0x24: {  	v20 =	vor.u32 $0x104, v0  }
0x25: {  	v21 =	vor.u32 $0x105, v0;
	[tilespmem:v16+s6+$0x0] =	vst.idx.msk $0xffff, v32;
	v23 =	vadd.s32 $0x186A0, v32  }
0x26: {  	v22 =	vor.u32 $0x106, v0;
	v24 =	vadd.s32 $0x30D40, v32;
	[tilespmem:v17+s6+$0x0] =	vst.idx.msk $0xffff, v23  }
0x27: {  	v25 =	vadd.s32 $0x493E0, v32;
	v23 =	vor.u32 $0x107, v0;
	[tilespmem:v18+s6+$0x0] =	vst.idx.msk $0xffff, v24  }
0x28: {  	v26 =	vadd.s32 $0x61A80, v32;
	v24 =	vor.u32 $0x108, v0;
	[tilespmem:v19+s6+$0x0] =	vst.idx.msk $0xffff, v25  }
0x29: {  	v27 =	vadd.s32 $0x7A120, v32;
	v25 =	vor.u32 $0x109, v0;
	[tilespmem:v20+s6+$0x0] =	vst.idx.msk $0xffff, v26  }
0x2a: {  	v28 =	vadd.s32 $0x927C0, v32;
	v26 =	vor.u32 $0x10A, v0;
	[tilespmem:v21+s6+$0x0] =	vst.idx.msk $0xffff, v27  }
0x2b: {  	v29 =	vadd.s32 $0xAAE60, v32;
	v27 =	vor.u32 $0x10B, v0;
	[tilespmem:v22+s6+$0x0] =	vst.idx.msk $0xffff, v28  }
0x2c: {  	v30 =	vadd.s32 $0xC3500, v32;
	v28 =	vor.u32 $0x10C, v0;
	[tilespmem:v23+s6+$0x0] =	vst.idx.msk $0xffff, v29  }
0x2d: {  	v31 =	vadd.s32 $0xDBBA0, v32;
	v29 =	vor.u32 $0x10D, v0;
	[tilespmem:v24+s6+$0x0] =	vst.idx.msk $0xffff, v30  }
0x2e: {  	v33 =	vadd.s32 $0xF4240, v32;
	v30 =	vor.u32 $0x10E, v0;
	[tilespmem:v25+s6+$0x0] =	vst.idx.msk $0xffff, v31  }
0x2f: {  	v56 =	vadd.s32 $0x10C8E0, v32;
	v31 =	vor.u32 $0x10F, v0;
	[tilespmem:v26+s6+$0x0] =	vst.idx.msk $0xffff, v33  }
0x30: {  	v57 =	vadd.s32 $0x124F80, v32;
	[tilespmem:v27+s6+$0x0] =	vst.idx.msk $0xffff, v56  }
0x31: {  	v58 =	vadd.s32 $0x13D620, v32;
	[tilespmem:v28+s6+$0x0] =	vst.idx.msk $0xffff, v57  }
0x32: {  	v59 =	vadd.s32 $0x155CC0, v32;
	[tilespmem:v29+s6+$0x0] =	vst.idx.msk $0xffff, v58  }
0x33: {  	v32 =	vadd.s32 $0x16E360, v32;
	[tilespmem:v30+s6+$0x0] =	vst.idx.msk $0xffff, v59  }
0x34: {  	[tilespmem:v31+s6+$0x0] =	vst.idx.msk $0xffff, v32  }
0x35: {  	v32 =	vor.u32 $0x200, v0;
	v48 =	vld [tilespmem:$0x20]  }
0x36: {  	v33 =	vor.u32 $0x201, v0  }
0x37: {  	v34 =	vor.u32 $0x202, v0  }
0x38: {  	v35 =	vor.u32 $0x203, v0  }
0x39: {  	v36 =	vor.u32 $0x204, v0  }
0x3a: {  	v37 =	vor.u32 $0x205, v0;
	[tilespmem:v32+s6+$0x0] =	vst.idx.msk $0xffff, v48;
	v39 =	vadd.s32 $0x186A0, v48  }
0x3b: {  	v38 =	vor.u32 $0x206, v0;
	v40 =	vadd.s32 $0x30D40, v48;
	[tilespmem:v33+s6+$0x0] =	vst.idx.msk $0xffff, v39  }
0x3c: {  	v41 =	vadd.s32 $0x493E0, v48;
	v39 =	vor.u32 $0x207, v0;
	[tilespmem:v34+s6+$0x0] =	vst.idx.msk $0xffff, v40  }
0x3d: {  	v42 =	vadd.s32 $0x61A80, v48;
	v40 =	vor.u32 $0x208, v0;
	[tilespmem:v35+s6+$0x0] =	vst.idx.msk $0xffff, v41  }
0x3e: {  	v43 =	vadd.s32 $0x7A120, v48;
	v41 =	vor.u32 $0x209, v0;
	[tilespmem:v36+s6+$0x0] =	vst.idx.msk $0xffff, v42  }
0x3f: {  	v44 =	vadd.s32 $0x927C0, v48;
	v42 =	vor.u32 $0x20A, v0;
	[tilespmem:v37+s6+$0x0] =	vst.idx.msk $0xffff, v43  }
0x40: {  	v45 =	vadd.s32 $0xAAE60, v48;
	v43 =	vor.u32 $0x20B, v0;
	[tilespmem:v38+s6+$0x0] =	vst.idx.msk $0xffff, v44  }
0x41: {  	v46 =	vadd.s32 $0xC3500, v48;
	v44 =	vor.u32 $0x20C, v0;
	[tilespmem:v39+s6+$0x0] =	vst.idx.msk $0xffff, v45  }
0x42: {  	v47 =	vadd.s32 $0xDBBA0, v48;
	v45 =	vor.u32 $0x20D, v0;
	[tilespmem:v40+s6+$0x0] =	vst.idx.msk $0xffff, v46  }
0x43: {  	v49 =	vadd.s32 $0xF4240, v48;
	v46 =	vor.u32 $0x20E, v0;
	[tilespmem:v41+s6+$0x0] =	vst.idx.msk $0xffff, v47  }
0x44: {  	v60 =	vadd.s32 $0x10C8E0, v48;
	v47 =	vor.u32 $0x20F, v0;
	[tilespmem:v42+s6+$0x0] =	vst.idx.msk $0xffff, v49  }
0x45: {  	v61 =	vadd.s32 $0x124F80, v48;
	[tilespmem:v43+s6+$0x0] =	vst.idx.msk $0xffff, v60  }
0x46: {  	v62 =	vadd.s32 $0x13D620, v48;
	[tilespmem:v44+s6+$0x0] =	vst.idx.msk $0xffff, v61  }
0x47: {  	v63 =	vadd.s32 $0x155CC0, v48;
	[tilespmem:v45+s6+$0x0] =	vst.idx.msk $0xffff, v62  }
0x48: {  	v48 =	vadd.s32 $0x16E360, v48;
	[tilespmem:v46+s6+$0x0] =	vst.idx.msk $0xffff, v63  }
0x49: {  	[tilespmem:v47+s6+$0x0] =	vst.idx.msk $0xffff, v48  }
0x4a: {  	v9 =	vmov v2;
	v48 =	vor.u32 $0x300, v0;
	v2 =	vld [tilespmem:$0x30]  }
0x4b: {  	v49 =	vor.u32 $0x301, v0  }
0x4c: {  	v50 =	vor.u32 $0x302, v0  }
0x4d: {  	v51 =	vor.u32 $0x303, v0  }
0x4e: {  	v52 =	vor.u32 $0x304, v0  }
0x4f: {  	v53 =	vor.u32 $0x305, v0;
	[tilespmem:v48+s6+$0x0] =	vst.idx.msk $0xffff, v2;
	v55 =	vadd.s32 $0x186A0, v2  }
0x50: {  	v54 =	vor.u32 $0x306, v0;
	v56 =	vadd.s32 $0x30D40, v2;
	[tilespmem:v49+s6+$0x0] =	vst.idx.msk $0xffff, v55  }
0x51: {  	v57 =	vadd.s32 $0x493E0, v2;
	v55 =	vor.u32 $0x307, v0;
	[tilespmem:v50+s6+$0x0] =	vst.idx.msk $0xffff, v56  }
0x52: {  	v58 =	vadd.s32 $0x61A80, v2;
	v56 =	vor.u32 $0x308, v0;
	[tilespmem:v51+s6+$0x0] =	vst.idx.msk $0xffff, v57  }
0x53: {  	v59 =	vadd.s32 $0x7A120, v2;
	v57 =	vor.u32 $0x309, v0;
	[tilespmem:v52+s6+$0x0] =	vst.idx.msk $0xffff, v58  }
0x54: {  	v60 =	vadd.s32 $0x927C0, v2;
	v58 =	vor.u32 $0x30A, v0;
	[tilespmem:v53+s6+$0x0] =	vst.idx.msk $0xffff, v59  }
0x55: {  	v61 =	vadd.s32 $0xAAE60, v2;
	v59 =	vor.u32 $0x30B, v0;
	[tilespmem:v54+s6+$0x0] =	vst.idx.msk $0xffff, v60  }
0x56: {  	v62 =	vadd.s32 $0xC3500, v2;
	v60 =	vor.u32 $0x30C, v0;
	[tilespmem:v55+s6+$0x0] =	vst.idx.msk $0xffff, v61  }
0x57: {  	v61 =	vor.u32 $0x30D, v0;
	[tilespmem:v56+s6+$0x0] =	vst.idx.msk $0xffff, v62;
	v62 =	vadd.s32 $0xDBBA0, v2  }
0x58: {  	v63 =	vadd.s32 $0xF4240, v2;
	[tilespmem:v57+s6+$0x0] =	vst.idx.msk $0xffff, v62;
	v62 =	vor.u32 $0x30E, v0  }
0x59: {  	v4 =	vmov v1;
	v1 =	vadd.s32 $0x10C8E0, v2;
	[tilespmem:v58+s6+$0x0] =	vst.idx.msk $0xffff, v63;
	v63 =	vor.u32 $0x30F, v0  }
0x5a: {  	[tilespmem:v59+s6+$0x0] =	vst.idx.msk $0xffff, v1;
	v1 =	vadd.s32 $0x124F80, v2  }
0x5b: {  	[tilespmem:v60+s6+$0x0] =	vst.idx.msk $0xffff, v1;
	v1 =	vadd.s32 $0x13D620, v2  }
0x5c: {  	[tilespmem:v61+s6+$0x0] =	vst.idx.msk $0xffff, v1;
	v1 =	vadd.s32 $0x155CC0, v2  }
0x5d: {  	[tilespmem:v62+s6+$0x0] =	vst.idx.msk $0xffff, v1;
	v1 =	vadd.s32 $0x16E360, v2  }
0x5e: {  	s7 =	simm.s32 $0x80;
	s8 =	simm.s32 $0x440;
	[tilespmem:v63+s6+$0x0] =	vst.idx.msk $0xffff, v1  }
0x5f: {  	[tilespmem:s8], [sflag:$0x1] =	stream.indirect.gather [hbm4b:s2+s7], $0x1, s6, s7, $0xb8;
	[tilespmem:$0x840] =	vst v63  }
0x60: {  	s9 =	simm.s32 $0xC0;
	s10 =	simm.s32 $0x4C0  }
0x61: {  	[tilespmem:s10], [sflag:$0x1] =	stream.indirect.gather [hbm4b:s2+s7], $0x1, s9, s7, $0xb8;
	[tilespmem:$0x840] =	vst v63  }
0x62: {  	s11 =	simm.s32 $0x140;
	s12 =	simm.s32 $0x540  }
0x63: {  	[tilespmem:s12], [sflag:$0x1] =	stream.indirect.gather [hbm4b:s2+s7], $0x1, s11, s7, $0xb8;
	[tilespmem:$0x840] =	vst v63  }
0x64: {  	s13 =	simm.s32 $0x1C0;
	s14 =	simm.s32 $0x5C0  }
0x65: {  	[tilespmem:s14], [sflag:$0x1] =	stream.indirect.gather [hbm4b:s2+s7], $0x1, s13, s7, $0xb8;
	[tilespmem:$0x840] =	vst v63  }
0x66: {  	s15 =	simm.s32 $0x240;
	s16 =	simm.s32 $0x640  }
0x67: {  	[tilespmem:s16], [sflag:$0x1] =	stream.indirect.gather [hbm4b:s2+s7], $0x1, s15, s7, $0xb8;
	[tilespmem:$0x840] =	vst v63  }
0x68: {  	s17 =	simm.s32 $0x2C0;
	s18 =	simm.s32 $0x6C0  }
0x69: {  	[tilespmem:s18], [sflag:$0x1] =	stream.indirect.gather [hbm4b:s2+s7], $0x1, s17, s7, $0xb8;
	[tilespmem:$0x840] =	vst v63  }
0x6a: {  	s19 =	simm.s32 $0x340;
	s20 =	simm.s32 $0x740  }
0x6b: {  	[tilespmem:s20], [sflag:$0x1] =	stream.indirect.gather [hbm4b:s2+s7], $0x1, s19, s7, $0xb8;
	[tilespmem:$0x840] =	vst v63  }
0x6c: {  	s21 =	simm.s32 $0x3C0;
	s22 =	simm.s32 $0x7C0;
	s23 =	simm.s32 $0x1  }
0x6d: {  	[tilespmem:s22], [sflag:$0x1] =	stream.indirect.gather [hbm4b:s2+s7], $0x1, s21, s7, $0xb8;
	[tilespmem:$0x840] =	vst v63  }
0x6e: {  	_ =	swait.ge [sflag:s23], $0x80  }
0x6f: {  	[sflag:s23] =	ssyncset.done $0x0  }
0x70: {  	[sflag:s23] =	ssyncadd.s32 $0xFFFFFF80  }
0x71: {  	_ =	swait.ge [sflag:s23], $0x80  }
0x72: {  	[sflag:s23] =	ssyncset.done $0x0  }
0x73: {  	[sflag:s23] =	ssyncadd.s32 $0xFFFFFF80  }
0x74: {  	_ =	swait.ge [sflag:s23], $0x80  }
0x75: {  	[sflag:s23] =	ssyncset.done $0x0  }
0x76: {  	[sflag:s23] =	ssyncadd.s32 $0xFFFFFF80  }
0x77: {  	_ =	swait.ge [sflag:s23], $0x80  }
0x78: {  	[sflag:s23] =	ssyncset.done $0x0  }
0x79: {  	[sflag:s23] =	ssyncadd.s32 $0xFFFFFF80  }
0x7a: {  	_ =	swait.ge [sflag:s23], $0x80  }
0x7b: {  	[sflag:s23] =	ssyncset.done $0x0  }
0x7c: {  	[sflag:s23] =	ssyncadd.s32 $0xFFFFFF80  }
0x7d: {  	_ =	swait.ge [sflag:s23], $0x80  }
0x7e: {  	[sflag:s23] =	ssyncset.done $0x0  }
0x7f: {  	s25 =	ssub.s32 $0x2, s25;
	[sflag:s23] =	ssyncadd.s32 $0xFFFFFF80  }
0x80: {  	s28 =	sshrl.u32 s25, $0x1;
	_ =	swait.ge [sflag:s23], $0x80  }
0x81: {  	s25 =	ssub.s32 s25, s28;
	[sflag:s23] =	ssyncset.done $0x0  }
0x82: {  	s25 =	smax.u32 s25, $0x1;
	[sflag:s23] =	ssyncadd.s32 $0xFFFFFF80  }
0x83: {  	s26 =	sshll.u32 s26, $0x7;
	p0 =	sne.s32 s25, $0x1;
	_ =	swait.ge [sflag:s23], $0x80  }
.Ltmp0:
0x84: {  	s24 =	sadd.s32 s26, s24;
	[sflag:s23] =	ssyncset.done $0x0;
	(pc) =	sbr.rel @!p0 .LBB2_3-.Ltmp0, $4  }
0x85: {  	s24 =	sadd.s32 $0x800, s24;
	[sflag:s23] =	ssyncadd.s32 $0xFFFFFF80  }
0x86: {  	[hbm4b:s24+s3] =	stream.linear.scatter [tilespmem:s8], [sflag:$0x2], $0x400, $0x38;
	[tilespmem:$0x840] =	vst v63  }
0x87: {  	_ =	swait.ge [sflag:s4], $0x400  }
0x88: {  	s25 =	sadd.s32 $0xFFFFFFFF, s25;
	[sflag:s4] =	ssyncset.done $0x0  }
0x89: {  	v5 =	vmov v8  }
.LBB2_2:
0x8a: {  	[sflag:s4] =	ssyncadd.s32 $0xFFFFFC00  }
0x8b: {  	[tilespmem:s3], [sflag:$0x2] =	stream.linear.gather [hbm4b:s5+s3], $0x40, $0x38;
	[tilespmem:$0x840] =	vst v63  }
0x8c: {  	_ =	swait.ge [sflag:s4], $0x40  }
0x8d: {  	[sflag:s4] =	ssyncset.done $0x0;
	v8 =	vld [tilespmem:$0x1FFD0]  }
0x8e: {  	[sflag:s4] =	ssyncadd.s32 $0xFFFFFFC0  }
0x8f: {  	v1 =	vld [tilespmem:$0x0];
	_ =	sdelay $0x4  }
0x90: {  	[tilespmem:v0+s6+$0x0] =	vst.idx.msk $0xffff, v1;
	v2 =	vadd.s32 $0x186A0, v1  }
0x91: {  	[tilespmem:v8+s6+$0x0] =	vst.idx.msk $0xffff, v2;
	v8 =	vld [tilespmem:$0x1FFE0];
	_ =	sdelay $0x6  }
0x92: {  	v2 =	vadd.s32 $0x30D40, v1  }
0x93: {  	[tilespmem:v8+s6+$0x0] =	vst.idx.msk $0xffff, v2;
	v8 =	vld [tilespmem:$0x1FFF0];
	_ =	sdelay $0x6  }
0x94: {  	v2 =	vadd.s32 $0x493E0, v1  }
0x95: {  	[tilespmem:v8+s6+$0x0] =	vst.idx.msk $0xffff, v2;
	v2 =	vadd.s32 $0x61A80, v1  }
0x96: {  	[tilespmem:v6+s6+$0x0] =	vst.idx.msk $0xffff, v2;
	v2 =	vadd.s32 $0x7A120, v1  }
0x97: {  	[tilespmem:v7+s6+$0x0] =	vst.idx.msk $0xffff, v2;
	v2 =	vadd.s32 $0x927C0, v1  }
0x98: {  	[tilespmem:v3+s6+$0x0] =	vst.idx.msk $0xffff, v2;
	v2 =	vadd.s32 $0xAAE60, v1  }
0x99: {  	[tilespmem:v4+s6+$0x0] =	vst.idx.msk $0xffff, v2;
	v2 =	vadd.s32 $0xC3500, v1  }
0x9a: {  	[tilespmem:v9+s6+$0x0] =	vst.idx.msk $0xffff, v2;
	v2 =	vadd.s32 $0xDBBA0, v1  }
0x9b: {  	[tilespmem:v5+s6+$0x0] =	vst.idx.msk $0xffff, v2;
	v2 =	vadd.s32 $0xF4240, v1  }
0x9c: {  	[tilespmem:v10+s6+$0x0] =	vst.idx.msk $0xffff, v2;
	v2 =	vadd.s32 $0x10C8E0, v1  }
0x9d: {  	[tilespmem:v11+s6+$0x0] =	vst.idx.msk $0xffff, v2;
	v2 =	vadd.s32 $0x124F80, v1  }
0x9e: {  	[tilespmem:v12+s6+$0x0] =	vst.idx.msk $0xffff, v2;
	v2 =	vadd.s32 $0x13D620, v1  }
0x9f: {  	[tilespmem:v13+s6+$0x0] =	vst.idx.msk $0xffff, v2;
	v2 =	vadd.s32 $0x155CC0, v1  }
0xa0: {  	v1 =	vadd.s32 $0x16E360, v1;
	[tilespmem:v14+s6+$0x0] =	vst.idx.msk $0xffff, v2  }
0xa1: {  	[tilespmem:v15+s6+$0x0] =	vst.idx.msk $0xffff, v1  }
0xa2: {  	v1 =	vld [tilespmem:$0x10];
	_ =	sdelay $0x4  }
0xa3: {  	[tilespmem:v16+s6+$0x0] =	vst.idx.msk $0xffff, v1;
	v2 =	vadd.s32 $0x186A0, v1  }
0xa4: {  	[tilespmem:v17+s6+$0x0] =	vst.idx.msk $0xffff, v2;
	v2 =	vadd.s32 $0x30D40, v1  }
0xa5: {  	[tilespmem:v18+s6+$0x0] =	vst.idx.msk $0xffff, v2;
	v2 =	vadd.s32 $0x493E0, v1  }
0xa6: {  	[tilespmem:v19+s6+$0x0] =	vst.idx.msk $0xffff, v2;
	v2 =	vadd.s32 $0x61A80, v1  }
0xa7: {  	[tilespmem:v20+s6+$0x0] =	vst.idx.msk $0xffff, v2;
	v2 =	vadd.s32 $0x7A120, v1  }
0xa8: {  	[tilespmem:v21+s6+$0x0] =	vst.idx.msk $0xffff, v2;
	v2 =	vadd.s32 $0x927C0, v1  }
0xa9: {  	[tilespmem:v22+s6+$0x0] =	vst.idx.msk $0xffff, v2;
	v2 =	vadd.s32 $0xAAE60, v1  }
0xaa: {  	[tilespmem:v23+s6+$0x0] =	vst.idx.msk $0xffff, v2;
	v2 =	vadd.s32 $0xC3500, v1  }
0xab: {  	[tilespmem:v24+s6+$0x0] =	vst.idx.msk $0xffff, v2;
	v2 =	vadd.s32 $0xDBBA0, v1  }
0xac: {  	[tilespmem:v25+s6+$0x0] =	vst.idx.msk $0xffff, v2;
	v2 =	vadd.s32 $0xF4240, v1  }
0xad: {  	[tilespmem:v26+s6+$0x0] =	vst.idx.msk $0xffff, v2;
	v2 =	vadd.s32 $0x10C8E0, v1  }
0xae: {  	[tilespmem:v27+s6+$0x0] =	vst.idx.msk $0xffff, v2;
	v2 =	vadd.s32 $0x124F80, v1  }
0xaf: {  	[tilespmem:v28+s6+$0x0] =	vst.idx.msk $0xffff, v2;
	v2 =	vadd.s32 $0x13D620, v1  }
0xb0: {  	[tilespmem:v29+s6+$0x0] =	vst.idx.msk $0xffff, v2;
	v2 =	vadd.s32 $0x155CC0, v1  }
0xb1: {  	v1 =	vadd.s32 $0x16E360, v1;
	[tilespmem:v30+s6+$0x0] =	vst.idx.msk $0xffff, v2  }
0xb2: {  	[tilespmem:v31+s6+$0x0] =	vst.idx.msk $0xffff, v1  }
0xb3: {  	v1 =	vld [tilespmem:$0x20];
	_ =	sdelay $0x4  }
0xb4: {  	[tilespmem:v32+s6+$0x0] =	vst.idx.msk $0xffff, v1;
	v2 =	vadd.s32 $0x186A0, v1  }
0xb5: {  	[tilespmem:v33+s6+$0x0] =	vst.idx.msk $0xffff, v2;
	v2 =	vadd.s32 $0x30D40, v1  }
0xb6: {  	[tilespmem:v34+s6+$0x0] =	vst.idx.msk $0xffff, v2;
	v2 =	vadd.s32 $0x493E0, v1  }
0xb7: {  	[tilespmem:v35+s6+$0x0] =	vst.idx.msk $0xffff, v2;
	v2 =	vadd.s32 $0x61A80, v1  }
0xb8: {  	[tilespmem:v36+s6+$0x0] =	vst.idx.msk $0xffff, v2;
	v2 =	vadd.s32 $0x7A120, v1  }
0xb9: {  	[tilespmem:v37+s6+$0x0] =	vst.idx.msk $0xffff, v2;
	v2 =	vadd.s32 $0x927C0, v1  }
0xba: {  	[tilespmem:v38+s6+$0x0] =	vst.idx.msk $0xffff, v2;
	v2 =	vadd.s32 $0xAAE60, v1  }
0xbb: {  	[tilespmem:v39+s6+$0x0] =	vst.idx.msk $0xffff, v2;
	v2 =	vadd.s32 $0xC3500, v1  }
0xbc: {  	[tilespmem:v40+s6+$0x0] =	vst.idx.msk $0xffff, v2;
	v2 =	vadd.s32 $0xDBBA0, v1  }
0xbd: {  	[tilespmem:v41+s6+$0x0] =	vst.idx.msk $0xffff, v2;
	v2 =	vadd.s32 $0xF4240, v1  }
0xbe: {  	[tilespmem:v42+s6+$0x0] =	vst.idx.msk $0xffff, v2;
	v2 =	vadd.s32 $0x10C8E0, v1  }
0xbf: {  	[tilespmem:v43+s6+$0x0] =	vst.idx.msk $0xffff, v2;
	v2 =	vadd.s32 $0x124F80, v1  }
0xc0: {  	[tilespmem:v44+s6+$0x0] =	vst.idx.msk $0xffff, v2;
	v2 =	vadd.s32 $0x13D620, v1  }
0xc1: {  	[tilespmem:v45+s6+$0x0] =	vst.idx.msk $0xffff, v2;
	v2 =	vadd.s32 $0x155CC0, v1  }
0xc2: {  	v1 =	vadd.s32 $0x16E360, v1;
	[tilespmem:v46+s6+$0x0] =	vst.idx.msk $0xffff, v2  }
0xc3: {  	[tilespmem:v47+s6+$0x0] =	vst.idx.msk $0xffff, v1  }
0xc4: {  	v1 =	vld [tilespmem:$0x30];
	_ =	sdelay $0x4  }
0xc5: {  	[tilespmem:v48+s6+$0x0] =	vst.idx.msk $0xffff, v1;
	v2 =	vadd.s32 $0x186A0, v1  }
0xc6: {  	[tilespmem:v49+s6+$0x0] =	vst.idx.msk $0xffff, v2;
	v2 =	vadd.s32 $0x30D40, v1  }
0xc7: {  	[tilespmem:v50+s6+$0x0] =	vst.idx.msk $0xffff, v2;
	v2 =	vadd.s32 $0x493E0, v1  }
0xc8: {  	[tilespmem:v51+s6+$0x0] =	vst.idx.msk $0xffff, v2;
	v2 =	vadd.s32 $0x61A80, v1  }
0xc9: {  	[tilespmem:v52+s6+$0x0] =	vst.idx.msk $0xffff, v2;
	v2 =	vadd.s32 $0x7A120, v1  }
0xca: {  	[tilespmem:v53+s6+$0x0] =	vst.idx.msk $0xffff, v2;
	v2 =	vadd.s32 $0x927C0, v1  }
0xcb: {  	[tilespmem:v54+s6+$0x0] =	vst.idx.msk $0xffff, v2;
	v2 =	vadd.s32 $0xAAE60, v1  }
0xcc: {  	[tilespmem:v55+s6+$0x0] =	vst.idx.msk $0xffff, v2;
	v2 =	vadd.s32 $0xC3500, v1  }
0xcd: {  	[tilespmem:v56+s6+$0x0] =	vst.idx.msk $0xffff, v2;
	v2 =	vadd.s32 $0xDBBA0, v1  }
0xce: {  	[tilespmem:v57+s6+$0x0] =	vst.idx.msk $0xffff, v2;
	v2 =	vadd.s32 $0xF4240, v1  }
0xcf: {  	[tilespmem:v58+s6+$0x0] =	vst.idx.msk $0xffff, v2;
	v2 =	vadd.s32 $0x10C8E0, v1  }
0xd0: {  	[tilespmem:v59+s6+$0x0] =	vst.idx.msk $0xffff, v2;
	v2 =	vadd.s32 $0x124F80, v1  }
0xd1: {  	[tilespmem:v60+s6+$0x0] =	vst.idx.msk $0xffff, v2;
	v2 =	vadd.s32 $0x13D620, v1  }
0xd2: {  	[tilespmem:v61+s6+$0x0] =	vst.idx.msk $0xffff, v2;
	v2 =	vadd.s32 $0x155CC0, v1  }
0xd3: {  	v1 =	vadd.s32 $0x16E360, v1;
	[tilespmem:v62+s6+$0x0] =	vst.idx.msk $0xffff, v2  }
0xd4: {  	[tilespmem:v63+s6+$0x0] =	vst.idx.msk $0xffff, v1  }
0xd5: {  	[tilespmem:s8], [sflag:$0x1] =	stream.indirect.gather [hbm4b:s2+s7], $0x1, s6, s7, $0xb8;
	[tilespmem:$0x840] =	vst v63  }
0xd6: {  	_ = 	snop  }
0xd7: {  	[tilespmem:s10], [sflag:$0x1] =	stream.indirect.gather [hbm4b:s2+s7], $0x1, s9, s7, $0xb8;
	[tilespmem:$0x840] =	vst v63  }
0xd8: {  	_ = 	snop  }
0xd9: {  	[tilespmem:s12], [sflag:$0x1] =	stream.indirect.gather [hbm4b:s2+s7], $0x1, s11, s7, $0xb8;
	[tilespmem:$0x840] =	vst v63  }
0xda: {  	_ = 	snop  }
0xdb: {  	[tilespmem:s14], [sflag:$0x1] =	stream.indirect.gather [hbm4b:s2+s7], $0x1, s13, s7, $0xb8;
	[tilespmem:$0x840] =	vst v63  }
0xdc: {  	_ = 	snop  }
0xdd: {  	[tilespmem:s16], [sflag:$0x1] =	stream.indirect.gather [hbm4b:s2+s7], $0x1, s15, s7, $0xb8;
	[tilespmem:$0x840] =	vst v63  }
0xde: {  	_ = 	snop  }
0xdf: {  	[tilespmem:s18], [sflag:$0x1] =	stream.indirect.gather [hbm4b:s2+s7], $0x1, s17, s7, $0xb8;
	[tilespmem:$0x840] =	vst v63  }
0xe0: {  	_ = 	snop  }
0xe1: {  	[tilespmem:s20], [sflag:$0x1] =	stream.indirect.gather [hbm4b:s2+s7], $0x1, s19, s7, $0xb8;
	[tilespmem:$0x840] =	vst v63  }
0xe2: {  	_ = 	snop  }
0xe3: {  	[tilespmem:s22], [sflag:$0x1] =	stream.indirect.gather [hbm4b:s2+s7], $0x1, s21, s7, $0xb8;
	[tilespmem:$0x840] =	vst v63  }
0xe4: {  	_ =	swait.ge [sflag:s23], $0x80  }
0xe5: {  	[sflag:s23] =	ssyncset.done $0x0  }
0xe6: {  	[sflag:s23] =	ssyncadd.s32 $0xFFFFFF80  }
0xe7: {  	_ =	swait.ge [sflag:s23], $0x80  }
0xe8: {  	[sflag:s23] =	ssyncset.done $0x0  }
0xe9: {  	[sflag:s23] =	ssyncadd.s32 $0xFFFFFF80  }
0xea: {  	_ =	swait.ge [sflag:s23], $0x80  }
0xeb: {  	[sflag:s23] =	ssyncset.done $0x0  }
0xec: {  	[sflag:s23] =	ssyncadd.s32 $0xFFFFFF80  }
0xed: {  	_ =	swait.ge [sflag:s23], $0x80  }
0xee: {  	[sflag:s23] =	ssyncset.done $0x0  }
0xef: {  	[sflag:s23] =	ssyncadd.s32 $0xFFFFFF80  }
0xf0: {  	_ =	swait.ge [sflag:s23], $0x80  }
0xf1: {  	[sflag:s23] =	ssyncset.done $0x0  }
0xf2: {  	[sflag:s23] =	ssyncadd.s32 $0xFFFFFF80  }
0xf3: {  	_ =	swait.ge [sflag:s23], $0x80  }
0xf4: {  	[sflag:s23] =	ssyncset.done $0x0  }
0xf5: {  	[sflag:s23] =	ssyncadd.s32 $0xFFFFFF80  }
0xf6: {  	_ =	swait.ge [sflag:s23], $0x80  }
0xf7: {  	[sflag:s23] =	ssyncset.done $0x0  }
0xf8: {  	[sflag:s23] =	ssyncadd.s32 $0xFFFFFF80  }
0xf9: {  	p0 =	sne.s32 s25, $0x1;
	_ =	swait.ge [sflag:s23], $0x80  }
.Ltmp1:
0xfa: {  	[sflag:s23] =	ssyncset.done $0x0;
	(pc) =	sbr.rel @p0 .LBB2_2-.Ltmp1, $4  }
0xfb: {  	[sflag:s23] =	ssyncadd.s32 $0xFFFFFF80  }
0xfc: {  	[hbm4b:s24+s3] =	stream.linear.scatter [tilespmem:s8], [sflag:$0x2], $0x400, $0x38;
	[tilespmem:$0x840] =	vst v63  }
0xfd: {  	_ =	swait.ge [sflag:s4], $0x400  }
0xfe: {  	s25 =	sadd.s32 $0xFFFFFFFF, s25;
	[sflag:s4] =	ssyncset.done $0x0  }
.LBB2_3:
0xff: {  	[sflag:s4] =	ssyncadd.s32 $0xFFFFFC00  }
0x100: {  	_ =	sfence.sel $0x180000  }
0x101: {  	[bflag:$0x0] =	sbarrier.arrive $0xFFFF  }
0x102: {  	p0 =	sne.s32 s0, $0x0;
	_ =	strace $0x90000047  }
0x103: {  	s0 =	sadd.s32 @!p0 $0x100000, s1;
	[bflag:$0x2] =	sbarrier.arrive $0xFFFF  }
0x104: {  	[sflag:s0] =	ssyncadd.tile.s32 @!p0 $0x1;
	_ =	shalt  }
.Lfunc_end2:
_tile_overlayer_lowered:
.L_overlay_start_2:
0x105: {  	(tag) =	ssettag $0x2  }
0x106: {  	s0 =	rddreg [dreg:$0x0];
	s2 =	stileid.u32  }
0x107: {  	s1 =	rddreg [dreg:$0x1];
	p0 =	sne.s32 s2, $0x0  }
0x108: {  	s3 =	rddreg [dreg:$0x2];
	[bflag:$0x3] =	sbarrier.arrive $0xFFFF;
	s2 =	simm.s32 @!p0 $0x1C02  }
0x109: {  	[timem:s3], [sflag:s2] =	dma.local @!p0 [hbm:s0], s1  }
0x10a: {  	s0 =	simm.s32 @!p0 $0x2  }
0x10b: {  	_ =	swait.ge @!p0 [sflag:s0], s1  }
0x10c: {  	s1 =	ssub.s32 @!p0 $0x0, s1;
	[sflag:s0] =	ssyncset.done @!p0 $0x0  }
0x10d: {  	[sflag:s0] =	ssyncadd.s32 @!p0 s1  }
0x10e: {  	[bflag:$0x3] =	sbarrier.arrive $0xFFFF  }
0x10f: {  	_ =	shalt  }

</sc_bundles>
